<compile_context>
chip_gen: v7x
topology: tpu7x:2x2x1
jax: 0.10.2.dev20260603
libtpu: 0.0.44.dev20260713+nightly
codegen_flags: <defaults>
</compile_context>

<pallas_src>
import functools

import jax
import jax.numpy as jnp
from jax import lax
from jax.experimental import pallas as pl
from jax.experimental.pallas import tpu as pltpu
from jax.experimental.pallas import tpu_sc as plsc

N = 100000
D = 128
S = 1024
NC = 2
NS = 16
NW = NC * NS
P = 128
NP = N // P
K = -(-NP // NW)
NITER = K + 2
TAIL = N - NP * P
TBASE = NP * P
SEG_W = S // NS

_mesh = plsc.VectorSubcoreMesh(core_axis_name="c", subcore_axis_name="s")


def _worker_ids():
    cid = lax.axis_index("c")
    sid = lax.axis_index("s")
    return cid, sid, sid * NC + cid


@functools.partial(
    pl.kernel,
    out_type=[
        jax.ShapeDtypeStruct((NC * S, D), jnp.float32),
        jax.ShapeDtypeStruct((NC * S, D), jnp.float32),
    ],
    mesh=_mesh,
    scratch_types=[
        pltpu.VMEM_SHARED((S, D), jnp.float32),
        pltpu.VMEM_SHARED((S, D), jnp.float32),
        pltpu.VMEM((SEG_W, D), jnp.float32),
        pltpu.VMEM((SEG_W, D), jnp.float32),
        pltpu.VMEM((P, D), jnp.float32),
        [pltpu.VMEM((P, D), jnp.float32)] * 3,
        [pltpu.VMEM((P,), jnp.int32)] * 3,
        pltpu.VMEM((TAIL, D), jnp.float32),
        pltpu.VMEM((TAIL,), jnp.int32),
        [pltpu.SemaphoreType.DMA] * 3,
        [pltpu.SemaphoreType.DMA] * 3,
    ],
)
def _seg_sums(x_hbm, b_hbm, sums_hbm, cnts_hbm,
              sh_sum, sh_cnt, zbuf, zcbuf, ones, xb, ib, xbt, ibt, ins, scs):
    cid, sid, wid = _worker_ids()

    zero = jnp.zeros((16,), jnp.float32)
    one = jnp.ones((16,), jnp.float32)

    def _zrow(r, _):
        for j in range(D // 16):
            ds = pl.ds(j * 16, 16)
            zbuf[r, ds] = zero
            zcbuf[r, ds] = zero
        return 0

    lax.fori_loop(0, SEG_W, _zrow, 0)

    def _orow(r, _):
        for j in range(D // 16):
            ones[r, pl.ds(j * 16, 16)] = one
        return 0

    lax.fori_loop(0, P, _orow, 0)

    pltpu.sync_copy(zbuf, sh_sum.at[pl.ds(sid * SEG_W, SEG_W)])
    pltpu.sync_copy(zcbuf, sh_cnt.at[pl.ds(sid * SEG_W, SEG_W)])
    plsc.subcore_barrier()

    pltpu.async_copy(x_hbm.at[pl.ds(wid * P, P)], xb[0], ins[0])
    pltpu.async_copy(b_hbm.at[pl.ds(wid * P, P)], ib[0], ins[0])

    def _trip(kk, _):
        for h in range(3):
            k = kk * 3 + h
            p = k * NW + wid

            @pl.when(p < NP)
            def _():
                base = p * P
                pltpu.make_async_copy(x_hbm.at[pl.ds(base, P)], xb[h], ins[h]).wait()
                pltpu.make_async_copy(b_hbm.at[pl.ds(base, P)], ib[h], ins[h]).wait()
                pltpu.async_copy(xb[h], sh_sum.at[ib[h]], scs[h], add=True)
                pltpu.async_copy(ones, sh_cnt.at[ib[h]], scs[h], add=True)

            h2 = (h + 1) % 3
            pp2 = p - 2 * NW

            @pl.when(jnp.logical_and(pp2 >= 0, pp2 < NP))
            def _():
                pltpu.make_async_copy(xb[h2], sh_sum.at[ib[h2]], scs[h2]).wait()
                pltpu.make_async_copy(ones, sh_cnt.at[ib[h2]], scs[h2]).wait()

            pn = p + NW

            @pl.when(pn < NP)
            def _():
                nbase = pn * P
                pltpu.async_copy(x_hbm.at[pl.ds(nbase, P)], xb[h2], ins[h2])
                pltpu.async_copy(b_hbm.at[pl.ds(nbase, P)], ib[h2], ins[h2])

        return 0

    lax.fori_loop(0, NITER // 3, _trip, 0)

    @pl.when(wid == NW - 1)
    def _():
        pltpu.sync_copy(x_hbm.at[pl.ds(TBASE, TAIL)], xbt)
        pltpu.sync_copy(b_hbm.at[pl.ds(TBASE, TAIL)], ibt)
        pltpu.sync_copy(xbt, sh_sum.at[ibt], add=True)
        pltpu.sync_copy(ones.at[pl.ds(0, TAIL)], sh_cnt.at[ibt], add=True)

    plsc.subcore_barrier()

    base = sid * SEG_W
    pltpu.sync_copy(sh_sum.at[pl.ds(base, SEG_W)], zbuf)
    pltpu.sync_copy(zbuf, sums_hbm.at[pl.ds(cid * S + base, SEG_W)])
    pltpu.sync_copy(sh_cnt.at[pl.ds(base, SEG_W)], zcbuf)
    pltpu.sync_copy(zcbuf, cnts_hbm.at[pl.ds(cid * S + base, SEG_W)])


@functools.partial(
    pl.kernel,
    out_type=jax.ShapeDtypeStruct((N, D), jnp.float32),
    mesh=_mesh,
    scratch_types=[
        pltpu.VMEM_SHARED((S, D), jnp.float32),
        pltpu.VMEM((SEG_W, D), jnp.float32),
        pltpu.VMEM((SEG_W, D), jnp.float32),
        pltpu.VMEM((SEG_W, D), jnp.float32),
        pltpu.VMEM((SEG_W, D), jnp.float32),
        [pltpu.VMEM((P, D), jnp.float32)] * 3,
        [pltpu.VMEM((P,), jnp.int32)] * 3,
        pltpu.VMEM((TAIL, D), jnp.float32),
        pltpu.VMEM((TAIL,), jnp.int32),
        [pltpu.SemaphoreType.DMA] * 3,
        [pltpu.SemaphoreType.DMA] * 3,
        [pltpu.SemaphoreType.DMA] * 3,
    ],
)
def _subtract(x_hbm, b_hbm, sums_hbm, cnts_hbm, y_hbm,
              sh_nmean, s0, s1, c0, c1, xb, ib, xbt, ibt, ins, gs, os):
    cid, sid, wid = _worker_ids()

    base = sid * SEG_W
    pltpu.sync_copy(sums_hbm.at[pl.ds(base, SEG_W)], s0)
    pltpu.sync_copy(sums_hbm.at[pl.ds(S + base, SEG_W)], s1)
    pltpu.sync_copy(cnts_hbm.at[pl.ds(base, SEG_W)], c0)
    pltpu.sync_copy(cnts_hbm.at[pl.ds(S + base, SEG_W)], c1)

    def _mrow(r, _):
        ds0 = pl.ds(0, 16)
        cnt = c0[r, ds0] + c1[r, ds0]
        ninv = jnp.float32(-1.0) / jnp.maximum(cnt, jnp.float32(1.0))
        for j in range(D // 16):
            ds = pl.ds(j * 16, 16)
            s0[r, ds] = (s0[r, ds] + s1[r, ds]) * ninv
        return 0

    lax.fori_loop(0, SEG_W, _mrow, 0)
    pltpu.sync_copy(s0, sh_nmean.at[pl.ds(base, SEG_W)])
    plsc.subcore_barrier()

    pltpu.async_copy(x_hbm.at[pl.ds(wid * P, P)], xb[0], ins[0])
    pltpu.async_copy(b_hbm.at[pl.ds(wid * P, P)], ib[0], ins[0])

    def _trip(kk, _):
        for h in range(3):
            k = kk * 3 + h
            p = k * NW + wid

            @pl.when(p < NP)
            def _():
                base = p * P
                pltpu.make_async_copy(x_hbm.at[pl.ds(base, P)], xb[h], ins[h]).wait()
                pltpu.make_async_copy(b_hbm.at[pl.ds(base, P)], ib[h], ins[h]).wait()
                pltpu.async_copy(sh_nmean.at[ib[h]], xb[h], gs[h], add=True)

            h1 = (h + 2) % 3
            pp1 = p - NW

            @pl.when(jnp.logical_and(pp1 >= 0, pp1 < NP))
            def _():
                pltpu.make_async_copy(sh_nmean.at[ib[h1]], xb[h1], gs[h1]).wait()
                pltpu.async_copy(xb[h1], y_hbm.at[pl.ds(pp1 * P, P)], os[h1])

            h2 = (h + 1) % 3
            pp2 = p - 2 * NW

            @pl.when(jnp.logical_and(pp2 >= 0, pp2 < NP))
            def _():
                pltpu.make_async_copy(xb[h2], y_hbm.at[pl.ds(pp2 * P, P)], os[h2]).wait()

            pn = p + NW

            @pl.when(pn < NP)
            def _():
                nbase = pn * P
                pltpu.async_copy(x_hbm.at[pl.ds(nbase, P)], xb[h2], ins[h2])
                pltpu.async_copy(b_hbm.at[pl.ds(nbase, P)], ib[h2], ins[h2])

        return 0

    lax.fori_loop(0, NITER // 3, _trip, 0)

    @pl.when(wid == NW - 1)
    def _():
        pltpu.sync_copy(x_hbm.at[pl.ds(TBASE, TAIL)], xbt)
        pltpu.sync_copy(b_hbm.at[pl.ds(TBASE, TAIL)], ibt)
        pltpu.sync_copy(sh_nmean.at[ibt], xbt, add=True)
        pltpu.sync_copy(xbt, y_hbm.at[pl.ds(TBASE, TAIL)])


def kernel(x, batch, dim_size):
    del dim_size
    b32 = batch.astype(jnp.int32)
    sums, cnts = _seg_sums(x, b32)
    return _subtract(x, b32, sums, cnts)

# --- scband reference (transcript-rebuilt; emitter-appended) ---
"""Pipeline reference for scband-mean-subtraction-norm-46291157516827 (READ-ONLY COPY).

The authoritative reference and input builder live on the scoring server;
editing this copy changes nothing except your own understanding.
"""

import jax, jax.numpy as jnp
import numpy as np


def setup_inputs(seed: int = 0) -> dict:
    key = jax.random.key(seed)
    k1, k2 = jax.random.split(key)
    x = jax.random.normal(k1, (100000, 128), dtype=jnp.float32)
    batch = jnp.sort(jax.random.randint(k2, (100000,), 0, 1024, dtype=jnp.int64))
    return {"x": x, "batch": batch, "dim_size": 1024}


def reference(x, batch, dim_size):
    # scatter(x, batch, dim=0, dim_size=dim_size, reduce='mean')
    num_segments = 1024  # static value always supplied by setup_inputs
    batch = jnp.clip(batch, 0, dim_size - 1)
    seg_sum = jax.ops.segment_sum(x, batch, num_segments=num_segments)
    seg_cnt = jax.ops.segment_sum(jnp.ones((x.shape[0],), dtype=x.dtype), batch, num_segments=num_segments)
    mean = seg_sum / jnp.clip(seg_cnt, 1.0)[:, None]
    # x - mean[batch]  (gather mean back to each node)
    return x - jnp.take(mean, batch, axis=0)

if __name__ == "__main__":
    import jax
    _d = setup_inputs()
    print(jax.jit(kernel)(*tuple(_d.values())))

</pallas_src>

<mosaic_0001>
#map = affine_map<(d0, d1) -> (0, 0)>
#map1 = affine_map<(d0, d1) -> (0)>
module attributes {stable_mosaic.version = 14 : i64} {
  func.func @_subtract(%arg0: i32, %arg1: i32, %arg2: memref<100000x128xf32, #tpu.memory_space<hbm>>, %arg3: memref<100000xi32, #tpu.memory_space<hbm>>, %arg4: memref<2048x128xf32, #tpu.memory_space<hbm>>, %arg5: memref<2048x128xf32, #tpu.memory_space<hbm>>, %arg6: memref<100000x128xf32, #tpu.memory_space<hbm>>, %arg7: memref<1024x128xf32, #tpu.memory_space<vmem_shared>>, %arg8: memref<64x128xf32, #tpu.memory_space<vmem>>, %arg9: memref<64x128xf32, #tpu.memory_space<vmem>>, %arg10: memref<64x128xf32, #tpu.memory_space<vmem>>, %arg11: memref<64x128xf32, #tpu.memory_space<vmem>>, %arg12: memref<128x128xf32, #tpu.memory_space<vmem>>, %arg13: memref<128x128xf32, #tpu.memory_space<vmem>>, %arg14: memref<128x128xf32, #tpu.memory_space<vmem>>, %arg15: memref<128xi32, #tpu.memory_space<vmem>>, %arg16: memref<128xi32, #tpu.memory_space<vmem>>, %arg17: memref<128xi32, #tpu.memory_space<vmem>>, %arg18: memref<32x128xf32, #tpu.memory_space<vmem>>, %arg19: memref<32xi32, #tpu.memory_space<vmem>>, %arg20: memref<!tpu.dma_semaphore, #tpu.memory_space<semaphore_mem>>, %arg21: memref<!tpu.dma_semaphore, #tpu.memory_space<semaphore_mem>>, %arg22: memref<!tpu.dma_semaphore, #tpu.memory_space<semaphore_mem>>, %arg23: memref<!tpu.dma_semaphore, #tpu.memory_space<semaphore_mem>>, %arg24: memref<!tpu.dma_semaphore, #tpu.memory_space<semaphore_mem>>, %arg25: memref<!tpu.dma_semaphore, #tpu.memory_space<semaphore_mem>>, %arg26: memref<!tpu.dma_semaphore, #tpu.memory_space<semaphore_mem>>, %arg27: memref<!tpu.dma_semaphore, #tpu.memory_space<semaphore_mem>>, %arg28: memref<!tpu.dma_semaphore, #tpu.memory_space<semaphore_mem>>) attributes {dimension_semantics = [#tpu.dimension_semantics<core_parallel>, #tpu.dimension_semantics<subcore_parallel>], iteration_bounds = array<i64: 2, 16>, scalar_prefetch = 0 : i64, scratch_operands = 22 : i64, tpu.core_type = #tpu.core_type<sc_vector_subcore>, window_params = [{transform_indices = #map}, {transform_indices = #map1}, {transform_indices = #map}, {transform_indices = #map}, {transform_indices = #map}]} {
    %mul3A = arith.constant 2 : i32
    %mul3A_0 = arith.muli %arg1, %mul3A : i32
    %add3A = arith.addi %mul3A_0, %arg0 : i32
    %mul3A_1 = arith.constant 64 : i32
    %mul3A_2 = arith.muli %arg1, %mul3A_1 : i32
    "tpu.region"() ({
      %run_scoped3A = tpu.sem_alloc : memref<!tpu.dma_semaphore, #tpu.memory_space<semaphore_mem>>
      %dma_start3A_31 = arith.constant 0 : i32
      %dma_start3A_32 = tpu.memref_slice %arg4[%mul3A_2, %dma_start3A_31] : memref<2048x128xf32, #tpu.memory_space<hbm>> -> memref<64x128xf32, #tpu.memory_space<hbm>>
      %dma_start3A_33 = arith.constant 0 : i32
      %dma_start3A_34 = tpu.memref_slice %arg4[%mul3A_2, %dma_start3A_33] : memref<2048x128xf32, #tpu.memory_space<hbm>> -> memref<64x128xf32, #tpu.memory_space<hbm>>
      tpu.enqueue_dma source(%dma_start3A_34 : memref<64x128xf32, #tpu.memory_space<hbm>>) target(%arg8 : memref<64x128xf32, #tpu.memory_space<vmem>>) target_semaphore(%run_scoped3A : memref<!tpu.dma_semaphore, #tpu.memory_space<semaphore_mem>>)
      %dma_wait3A = arith.constant 0 : i32
      %dma_wait3A_35 = tpu.memref_slice %arg4[%mul3A_2, %dma_wait3A] : memref<2048x128xf32, #tpu.memory_space<hbm>> -> memref<64x128xf32, #tpu.memory_space<hbm>>
      %dma_wait3A_36 = arith.constant 0 : i32
      %dma_wait3A_37 = tpu.memref_slice %arg4[%mul3A_2, %dma_wait3A_36] : memref<2048x128xf32, #tpu.memory_space<hbm>> -> memref<64x128xf32, #tpu.memory_space<hbm>>
      tpu.wait_dma2 semaphore(%run_scoped3A : memref<!tpu.dma_semaphore, #tpu.memory_space<semaphore_mem>>) src(%dma_wait3A_37 : memref<64x128xf32, #tpu.memory_space<hbm>>) dst(%arg8 : memref<64x128xf32, #tpu.memory_space<vmem>>)
      tpu.yield
    }) : () -> ()
    %add3A_3 = arith.constant 1024 : i32
    %add3A_4 = arith.addi %add3A_3, %mul3A_2 : i32
    "tpu.region"() ({
      %run_scoped3A = tpu.sem_alloc : memref<!tpu.dma_semaphore, #tpu.memory_space<semaphore_mem>>
      %dma_start3A_31 = arith.constant 0 : i32
      %dma_start3A_32 = tpu.memref_slice %arg4[%add3A_4, %dma_start3A_31] : memref<2048x128xf32, #tpu.memory_space<hbm>> -> memref<64x128xf32, #tpu.memory_space<hbm>>
      %dma_start3A_33 = arith.constant 0 : i32
      %dma_start3A_34 = tpu.memref_slice %arg4[%add3A_4, %dma_start3A_33] : memref<2048x128xf32, #tpu.memory_space<hbm>> -> memref<64x128xf32, #tpu.memory_space<hbm>>
      tpu.enqueue_dma source(%dma_start3A_34 : memref<64x128xf32, #tpu.memory_space<hbm>>) target(%arg9 : memref<64x128xf32, #tpu.memory_space<vmem>>) target_semaphore(%run_scoped3A : memref<!tpu.dma_semaphore, #tpu.memory_space<semaphore_mem>>)
      %dma_wait3A = arith.constant 0 : i32
      %dma_wait3A_35 = tpu.memref_slice %arg4[%add3A_4, %dma_wait3A] : memref<2048x128xf32, #tpu.memory_space<hbm>> -> memref<64x128xf32, #tpu.memory_space<hbm>>
      %dma_wait3A_36 = arith.constant 0 : i32
      %dma_wait3A_37 = tpu.memref_slice %arg4[%add3A_4, %dma_wait3A_36] : memref<2048x128xf32, #tpu.memory_space<hbm>> -> memref<64x128xf32, #tpu.memory_space<hbm>>
      tpu.wait_dma2 semaphore(%run_scoped3A : memref<!tpu.dma_semaphore, #tpu.memory_space<semaphore_mem>>) src(%dma_wait3A_37 : memref<64x128xf32, #tpu.memory_space<hbm>>) dst(%arg9 : memref<64x128xf32, #tpu.memory_space<vmem>>)
      tpu.yield
    }) : () -> ()
    "tpu.region"() ({
      %run_scoped3A = tpu.sem_alloc : memref<!tpu.dma_semaphore, #tpu.memory_space<semaphore_mem>>
      %dma_start3A_31 = arith.constant 0 : i32
      %dma_start3A_32 = tpu.memref_slice %arg5[%mul3A_2, %dma_start3A_31] : memref<2048x128xf32, #tpu.memory_space<hbm>> -> memref<64x128xf32, #tpu.memory_space<hbm>>
      %dma_start3A_33 = arith.constant 0 : i32
      %dma_start3A_34 = tpu.memref_slice %arg5[%mul3A_2, %dma_start3A_33] : memref<2048x128xf32, #tpu.memory_space<hbm>> -> memref<64x128xf32, #tpu.memory_space<hbm>>
      tpu.enqueue_dma source(%dma_start3A_34 : memref<64x128xf32, #tpu.memory_space<hbm>>) target(%arg10 : memref<64x128xf32, #tpu.memory_space<vmem>>) target_semaphore(%run_scoped3A : memref<!tpu.dma_semaphore, #tpu.memory_space<semaphore_mem>>)
      %dma_wait3A = arith.constant 0 : i32
      %dma_wait3A_35 = tpu.memref_slice %arg5[%mul3A_2, %dma_wait3A] : memref<2048x128xf32, #tpu.memory_space<hbm>> -> memref<64x128xf32, #tpu.memory_space<hbm>>
      %dma_wait3A_36 = arith.constant 0 : i32
      %dma_wait3A_37 = tpu.memref_slice %arg5[%mul3A_2, %dma_wait3A_36] : memref<2048x128xf32, #tpu.memory_space<hbm>> -> memref<64x128xf32, #tpu.memory_space<hbm>>
      tpu.wait_dma2 semaphore(%run_scoped3A : memref<!tpu.dma_semaphore, #tpu.memory_space<semaphore_mem>>) src(%dma_wait3A_37 : memref<64x128xf32, #tpu.memory_space<hbm>>) dst(%arg10 : memref<64x128xf32, #tpu.memory_space<vmem>>)
      tpu.yield
    }) : () -> ()
    %add3A_5 = arith.constant 1024 : i32
    %add3A_6 = arith.addi %add3A_5, %mul3A_2 : i32
    "tpu.region"() ({
      %run_scoped3A = tpu.sem_alloc : memref<!tpu.dma_semaphore, #tpu.memory_space<semaphore_mem>>
      %dma_start3A_31 = arith.constant 0 : i32
      %dma_start3A_32 = tpu.memref_slice %arg5[%add3A_6, %dma_start3A_31] : memref<2048x128xf32, #tpu.memory_space<hbm>> -> memref<64x128xf32, #tpu.memory_space<hbm>>
      %dma_start3A_33 = arith.constant 0 : i32
      %dma_start3A_34 = tpu.memref_slice %arg5[%add3A_6, %dma_start3A_33] : memref<2048x128xf32, #tpu.memory_space<hbm>> -> memref<64x128xf32, #tpu.memory_space<hbm>>
      tpu.enqueue_dma source(%dma_start3A_34 : memref<64x128xf32, #tpu.memory_space<hbm>>) target(%arg11 : memref<64x128xf32, #tpu.memory_space<vmem>>) target_semaphore(%run_scoped3A : memref<!tpu.dma_semaphore, #tpu.memory_space<semaphore_mem>>)
      %dma_wait3A = arith.constant 0 : i32
      %dma_wait3A_35 = tpu.memref_slice %arg5[%add3A_6, %dma_wait3A] : memref<2048x128xf32, #tpu.memory_space<hbm>> -> memref<64x128xf32, #tpu.memory_space<hbm>>
      %dma_wait3A_36 = arith.constant 0 : i32
      %dma_wait3A_37 = tpu.memref_slice %arg5[%add3A_6, %dma_wait3A_36] : memref<2048x128xf32, #tpu.memory_space<hbm>> -> memref<64x128xf32, #tpu.memory_space<hbm>>
      tpu.wait_dma2 semaphore(%run_scoped3A : memref<!tpu.dma_semaphore, #tpu.memory_space<semaphore_mem>>) src(%dma_wait3A_37 : memref<64x128xf32, #tpu.memory_space<hbm>>) dst(%arg11 : memref<64x128xf32, #tpu.memory_space<vmem>>)
      tpu.yield
    }) : () -> ()
    %scan3A = arith.constant 0 : i32
    %scan3A_7 = arith.constant 0 : i32
    %scan3A_8 = arith.constant 64 : i32
    %scan3A_9 = arith.addi %scan3A_7, %scan3A_8 : i32
    %scan3A_10 = arith.constant 1 : i32
    %scan3A_11 = scf.for %scan3A_31 = %scan3A_7 to %scan3A_9 step %scan3A_10 iter_args(%scan3A_32 = %scan3A) -> (i32)  : i32 {
      %get3A = arith.index_cast %scan3A_31 : i32 to index
      %get3A_33 = arith.constant 0 : index
      %get3A_34 = tpu.vector_load %arg10[%get3A, %get3A_33] {strides = array<i32>} : memref<64x128xf32, #tpu.memory_space<vmem>>, vector<1x16xf32>,
      %get3A_35 = vector.shape_cast %get3A_34 : vector<1x16xf32> to vector<16xf32>
      %get3A_36 = arith.index_cast %scan3A_31 : i32 to index
      %get3A_37 = arith.constant 0 : index
      %get3A_38 = tpu.vector_load %arg11[%get3A_36, %get3A_37] {strides = array<i32>} : memref<64x128xf32, #tpu.memory_space<vmem>>, vector<1x16xf32>,
      %get3A_39 = vector.shape_cast %get3A_38 : vector<1x16xf32> to vector<16xf32>
      %add3A_40 = arith.addf %get3A_35, %get3A_39 : vector<16xf32>
      %max3A = arith.constant 1.000000e+00 : f32
      %max3A_41 = vector.broadcast %max3A : f32 to vector<16xf32>
      %max3A_42 = arith.maximumf %add3A_40, %max3A_41 : vector<16xf32>
      %div3A = arith.constant -1.000000e+00 : f32
      %div3A_43 = vector.broadcast %div3A : f32 to vector<16xf32>
      %div3A_44 = arith.divf %div3A_43, %max3A_42 : vector<16xf32>
      %get3A_45 = arith.index_cast %scan3A_31 : i32 to index
      %get3A_46 = arith.constant 0 : index
      %get3A_47 = tpu.vector_load %arg8[%get3A_45, %get3A_46] {strides = array<i32>} : memref<64x128xf32, #tpu.memory_space<vmem>>, vector<1x16xf32>,
      %get3A_48 = vector.shape_cast %get3A_47 : vector<1x16xf32> to vector<16xf32>
      %get3A_49 = arith.index_cast %scan3A_31 : i32 to index
      %get3A_50 = arith.constant 0 : index
      %get3A_51 = tpu.vector_load %arg9[%get3A_49, %get3A_50] {strides = array<i32>} : memref<64x128xf32, #tpu.memory_space<vmem>>, vector<1x16xf32>,
      %get3A_52 = vector.shape_cast %get3A_51 : vector<1x16xf32> to vector<16xf32>
      %add3A_53 = arith.addf %get3A_48, %get3A_52 : vector<16xf32>
      %mul3A_54 = arith.mulf %add3A_53, %div3A_44 : vector<16xf32>
      %swap3A = arith.index_cast %scan3A_31 : i32 to index
      %swap3A_55 = arith.constant 0 : index
      %swap3A_56 = tpu.vector_load %arg8[%swap3A, %swap3A_55] {strides = array<i32>} : memref<64x128xf32, #tpu.memory_space<vmem>>, vector<1x16xf32>,
      %swap3A_57 = vector.shape_cast %swap3A_56 : vector<1x16xf32> to vector<16xf32>
      %swap3A_58 = vector.shape_cast %mul3A_54 : vector<16xf32> to vector<1x16xf32>
      tpu.vector_store %arg8[%swap3A, %swap3A_55], %swap3A_58 {strides = array<i32>} : memref<64x128xf32, #tpu.memory_space<vmem>>, vector<1x16xf32>,
      %get3A_59 = arith.index_cast %scan3A_31 : i32 to index
      %get3A_60 = arith.constant 16 : index
      %get3A_61 = tpu.vector_load %arg8[%get3A_59, %get3A_60] {strides = array<i32>} : memref<64x128xf32, #tpu.memory_space<vmem>>, vector<1x16xf32>,
      %get3A_62 = vector.shape_cast %get3A_61 : vector<1x16xf32> to vector<16xf32>
      %get3A_63 = arith.index_cast %scan3A_31 : i32 to index
      %get3A_64 = arith.constant 16 : index
      %get3A_65 = tpu.vector_load %arg9[%get3A_63, %get3A_64] {strides = array<i32>} : memref<64x128xf32, #tpu.memory_space<vmem>>, vector<1x16xf32>,
      %get3A_66 = vector.shape_cast %get3A_65 : vector<1x16xf32> to vector<16xf32>
      %add3A_67 = arith.addf %get3A_62, %get3A_66 : vector<16xf32>
      %mul3A_68 = arith.mulf %add3A_67, %div3A_44 : vector<16xf32>
      %swap3A_69 = arith.index_cast %scan3A_31 : i32 to index
      %swap3A_70 = arith.constant 16 : index
      %swap3A_71 = tpu.vector_load %arg8[%swap3A_69, %swap3A_70] {strides = array<i32>} : memref<64x128xf32, #tpu.memory_space<vmem>>, vector<1x16xf32>,
      %swap3A_72 = vector.shape_cast %swap3A_71 : vector<1x16xf32> to vector<16xf32>
      %swap3A_73 = vector.shape_cast %mul3A_68 : vector<16xf32> to vector<1x16xf32>
      tpu.vector_store %arg8[%swap3A_69, %swap3A_70], %swap3A_73 {strides = array<i32>} : memref<64x128xf32, #tpu.memory_space<vmem>>, vector<1x16xf32>,
      %get3A_74 = arith.index_cast %scan3A_31 : i32 to index
      %get3A_75 = arith.constant 32 : index
      %get3A_76 = tpu.vector_load %arg8[%get3A_74, %get3A_75] {strides = array<i32>} : memref<64x128xf32, #tpu.memory_space<vmem>>, vector<1x16xf32>,
      %get3A_77 = vector.shape_cast %get3A_76 : vector<1x16xf32> to vector<16xf32>
      %get3A_78 = arith.index_cast %scan3A_31 : i32 to index
      %get3A_79 = arith.constant 32 : index
      %get3A_80 = tpu.vector_load %arg9[%get3A_78, %get3A_79] {strides = array<i32>} : memref<64x128xf32, #tpu.memory_space<vmem>>, vector<1x16xf32>,
      %get3A_81 = vector.shape_cast %get3A_80 : vector<1x16xf32> to vector<16xf32>
      %add3A_82 = arith.addf %get3A_77, %get3A_81 : vector<16xf32>
      %mul3A_83 = arith.mulf %add3A_82, %div3A_44 : vector<16xf32>
      %swap3A_84 = arith.index_cast %scan3A_31 : i32 to index
      %swap3A_85 = arith.constant 32 : index
      %swap3A_86 = tpu.vector_load %arg8[%swap3A_84, %swap3A_85] {strides = array<i32>} : memref<64x128xf32, #tpu.memory_space<vmem>>, vector<1x16xf32>,
      %swap3A_87 = vector.shape_cast %swap3A_86 : vector<1x16xf32> to vector<16xf32>
      %swap3A_88 = vector.shape_cast %mul3A_83 : vector<16xf32> to vector<1x16xf32>
      tpu.vector_store %arg8[%swap3A_84, %swap3A_85], %swap3A_88 {strides = array<i32>} : memref<64x128xf32, #tpu.memory_space<vmem>>, vector<1x16xf32>,
      %get3A_89 = arith.index_cast %scan3A_31 : i32 to index
      %get3A_90 = arith.constant 48 : index
      %get3A_91 = tpu.vector_load %arg8[%get3A_89, %get3A_90] {strides = array<i32>} : memref<64x128xf32, #tpu.memory_space<vmem>>, vector<1x16xf32>,
      %get3A_92 = vector.shape_cast %get3A_91 : vector<1x16xf32> to vector<16xf32>
      %get3A_93 = arith.index_cast %scan3A_31 : i32 to index
      %get3A_94 = arith.constant 48 : index
      %get3A_95 = tpu.vector_load %arg9[%get3A_93, %get3A_94] {strides = array<i32>} : memref<64x128xf32, #tpu.memory_space<vmem>>, vector<1x16xf32>,
      %get3A_96 = vector.shape_cast %get3A_95 : vector<1x16xf32> to vector<16xf32>
      %add3A_97 = arith.addf %get3A_92, %get3A_96 : vector<16xf32>
      %mul3A_98 = arith.mulf %add3A_97, %div3A_44 : vector<16xf32>
      %swap3A_99 = arith.index_cast %scan3A_31 : i32 to index
      %swap3A_100 = arith.constant 48 : index
      %swap3A_101 = tpu.vector_load %arg8[%swap3A_99, %swap3A_100] {strides = array<i32>} : memref<64x128xf32, #tpu.memory_space<vmem>>, vector<1x16xf32>,
      %swap3A_102 = vector.shape_cast %swap3A_101 : vector<1x16xf32> to vector<16xf32>
      %swap3A_103 = vector.shape_cast %mul3A_98 : vector<16xf32> to vector<1x16xf32>
      tpu.vector_store %arg8[%swap3A_99, %swap3A_100], %swap3A_103 {strides = array<i32>} : memref<64x128xf32, #tpu.memory_space<vmem>>, vector<1x16xf32>,
      %get3A_104 = arith.index_cast %scan3A_31 : i32 to index
      %get3A_105 = arith.constant 64 : index
      %get3A_106 = tpu.vector_load %arg8[%get3A_104, %get3A_105] {strides = array<i32>} : memref<64x128xf32, #tpu.memory_space<vmem>>, vector<1x16xf32>,
      %get3A_107 = vector.shape_cast %get3A_106 : vector<1x16xf32> to vector<16xf32>
      %get3A_108 = arith.index_cast %scan3A_31 : i32 to index
      %get3A_109 = arith.constant 64 : index
      %get3A_110 = tpu.vector_load %arg9[%get3A_108, %get3A_109] {strides = array<i32>} : memref<64x128xf32, #tpu.memory_space<vmem>>, vector<1x16xf32>,
      %get3A_111 = vector.shape_cast %get3A_110 : vector<1x16xf32> to vector<16xf32>
      %add3A_112 = arith.addf %get3A_107, %get3A_111 : vector<16xf32>
      %mul3A_113 = arith.mulf %add3A_112, %div3A_44 : vector<16xf32>
      %swap3A_114 = arith.index_cast %scan3A_31 : i32 to index
      %swap3A_115 = arith.constant 64 : index
      %swap3A_116 = tpu.vector_load %arg8[%swap3A_114, %swap3A_115] {strides = array<i32>} : memref<64x128xf32, #tpu.memory_space<vmem>>, vector<1x16xf32>,
      %swap3A_117 = vector.shape_cast %swap3A_116 : vector<1x16xf32> to vector<16xf32>
      %swap3A_118 = vector.shape_cast %mul3A_113 : vector<16xf32> to vector<1x16xf32>
      tpu.vector_store %arg8[%swap3A_114, %swap3A_115], %swap3A_118 {strides = array<i32>} : memref<64x128xf32, #tpu.memory_space<vmem>>, vector<1x16xf32>,
      %get3A_119 = arith.index_cast %scan3A_31 : i32 to index
      %get3A_120 = arith.constant 80 : index
      %get3A_121 = tpu.vector_load %arg8[%get3A_119, %get3A_120] {strides = array<i32>} : memref<64x128xf32, #tpu.memory_space<vmem>>, vector<1x16xf32>,
      %get3A_122 = vector.shape_cast %get3A_121 : vector<1x16xf32> to vector<16xf32>
      %get3A_123 = arith.index_cast %scan3A_31 : i32 to index
      %get3A_124 = arith.constant 80 : index
      %get3A_125 = tpu.vector_load %arg9[%get3A_123, %get3A_124] {strides = array<i32>} : memref<64x128xf32, #tpu.memory_space<vmem>>, vector<1x16xf32>,
      %get3A_126 = vector.shape_cast %get3A_125 : vector<1x16xf32> to vector<16xf32>
      %add3A_127 = arith.addf %get3A_122, %get3A_126 : vector<16xf32>
      %mul3A_128 = arith.mulf %add3A_127, %div3A_44 : vector<16xf32>
      %swap3A_129 = arith.index_cast %scan3A_31 : i32 to index
      %swap3A_130 = arith.constant 80 : index
      %swap3A_131 = tpu.vector_load %arg8[%swap3A_129, %swap3A_130] {strides = array<i32>} : memref<64x128xf32, #tpu.memory_space<vmem>>, vector<1x16xf32>,
      %swap3A_132 = vector.shape_cast %swap3A_131 : vector<1x16xf32> to vector<16xf32>
      %swap3A_133 = vector.shape_cast %mul3A_128 : vector<16xf32> to vector<1x16xf32>
      tpu.vector_store %arg8[%swap3A_129, %swap3A_130], %swap3A_133 {strides = array<i32>} : memref<64x128xf32, #tpu.memory_space<vmem>>, vector<1x16xf32>,
      %get3A_134 = arith.index_cast %scan3A_31 : i32 to index
      %get3A_135 = arith.constant 96 : index
      %get3A_136 = tpu.vector_load %arg8[%get3A_134, %get3A_135] {strides = array<i32>} : memref<64x128xf32, #tpu.memory_space<vmem>>, vector<1x16xf32>,
      %get3A_137 = vector.shape_cast %get3A_136 : vector<1x16xf32> to vector<16xf32>
      %get3A_138 = arith.index_cast %scan3A_31 : i32 to index
      %get3A_139 = arith.constant 96 : index
      %get3A_140 = tpu.vector_load %arg9[%get3A_138, %get3A_139] {strides = array<i32>} : memref<64x128xf32, #tpu.memory_space<vmem>>, vector<1x16xf32>,
      %get3A_141 = vector.shape_cast %get3A_140 : vector<1x16xf32> to vector<16xf32>
      %add3A_142 = arith.addf %get3A_137, %get3A_141 : vector<16xf32>
      %mul3A_143 = arith.mulf %add3A_142, %div3A_44 : vector<16xf32>
      %swap3A_144 = arith.index_cast %scan3A_31 : i32 to index
      %swap3A_145 = arith.constant 96 : index
      %swap3A_146 = tpu.vector_load %arg8[%swap3A_144, %swap3A_145] {strides = array<i32>} : memref<64x128xf32, #tpu.memory_space<vmem>>, vector<1x16xf32>,
      %swap3A_147 = vector.shape_cast %swap3A_146 : vector<1x16xf32> to vector<16xf32>
      %swap3A_148 = vector.shape_cast %mul3A_143 : vector<16xf32> to vector<1x16xf32>
      tpu.vector_store %arg8[%swap3A_144, %swap3A_145], %swap3A_148 {strides = array<i32>} : memref<64x128xf32, #tpu.memory_space<vmem>>, vector<1x16xf32>,
      %get3A_149 = arith.index_cast %scan3A_31 : i32 to index
      %get3A_150 = arith.constant 112 : index
      %get3A_151 = tpu.vector_load %arg8[%get3A_149, %get3A_150] {strides = array<i32>} : memref<64x128xf32, #tpu.memory_space<vmem>>, vector<1x16xf32>,
      %get3A_152 = vector.shape_cast %get3A_151 : vector<1x16xf32> to vector<16xf32>
      %get3A_153 = arith.index_cast %scan3A_31 : i32 to index
      %get3A_154 = arith.constant 112 : index
      %get3A_155 = tpu.vector_load %arg9[%get3A_153, %get3A_154] {strides = array<i32>} : memref<64x128xf32, #tpu.memory_space<vmem>>, vector<1x16xf32>,
      %get3A_156 = vector.shape_cast %get3A_155 : vector<1x16xf32> to vector<16xf32>
      %add3A_157 = arith.addf %get3A_152, %get3A_156 : vector<16xf32>
      %mul3A_158 = arith.mulf %add3A_157, %div3A_44 : vector<16xf32>
      %swap3A_159 = arith.index_cast %scan3A_31 : i32 to index
      %swap3A_160 = arith.constant 112 : index
      %swap3A_161 = tpu.vector_load %arg8[%swap3A_159, %swap3A_160] {strides = array<i32>} : memref<64x128xf32, #tpu.memory_space<vmem>>, vector<1x16xf32>,
      %swap3A_162 = vector.shape_cast %swap3A_161 : vector<1x16xf32> to vector<16xf32>
      %swap3A_163 = vector.shape_cast %mul3A_158 : vector<16xf32> to vector<1x16xf32>
      tpu.vector_store %arg8[%swap3A_159, %swap3A_160], %swap3A_163 {strides = array<i32>} : memref<64x128xf32, #tpu.memory_space<vmem>>, vector<1x16xf32>,
      %scan3A_164 = arith.constant 0 : i32
      scf.yield %scan3A_164 : i32
    }
    %scan3A_12 = arith.constant 64 : i32
    "tpu.region"() ({
      %run_scoped3A = tpu.sem_alloc : memref<!tpu.dma_semaphore, #tpu.memory_space<semaphore_mem>>
      %dma_start3A_31 = arith.constant 0 : i32
      %dma_start3A_32 = tpu.memref_slice %arg7[%mul3A_2, %dma_start3A_31] : memref<1024x128xf32, #tpu.memory_space<vmem_shared>> -> memref<64x128xf32, #tpu.memory_space<vmem_shared>>
      %dma_start3A_33 = arith.constant 0 : i32
      %dma_start3A_34 = tpu.memref_slice %arg7[%mul3A_2, %dma_start3A_33] : memref<1024x128xf32, #tpu.memory_space<vmem_shared>> -> memref<64x128xf32, #tpu.memory_space<vmem_shared>>
      tpu.enqueue_dma source(%arg8 : memref<64x128xf32, #tpu.memory_space<vmem>>) target(%dma_start3A_34 : memref<64x128xf32, #tpu.memory_space<vmem_shared>>) target_semaphore(%run_scoped3A : memref<!tpu.dma_semaphore, #tpu.memory_space<semaphore_mem>>)
      %dma_wait3A = arith.constant 0 : i32
      %dma_wait3A_35 = tpu.memref_slice %arg7[%mul3A_2, %dma_wait3A] : memref<1024x128xf32, #tpu.memory_space<vmem_shared>> -> memref<64x128xf32, #tpu.memory_space<vmem_shared>>
      %dma_wait3A_36 = arith.constant 0 : i32
      %dma_wait3A_37 = tpu.memref_slice %arg7[%mul3A_2, %dma_wait3A_36] : memref<1024x128xf32, #tpu.memory_space<vmem_shared>> -> memref<64x128xf32, #tpu.memory_space<vmem_shared>>
      tpu.wait_dma2 semaphore(%run_scoped3A : memref<!tpu.dma_semaphore, #tpu.memory_space<semaphore_mem>>) src(%arg8 : memref<64x128xf32, #tpu.memory_space<vmem>>) dst(%dma_wait3A_37 : memref<64x128xf32, #tpu.memory_space<vmem_shared>>)
      tpu.yield
    }) : () -> ()
    %barrier3A = arith.constant 0 : index
    tpu.barrier barrier_id(%barrier3A)
    %mul3A_13 = arith.constant 128 : i32
    %mul3A_14 = arith.muli %add3A, %mul3A_13 : i32
    %dma_start3A = arith.constant 0 : i32
    %dma_start3A_15 = tpu.memref_slice %arg2[%mul3A_14, %dma_start3A] : memref<100000x128xf32, #tpu.memory_space<hbm>> -> memref<128x128xf32, #tpu.memory_space<hbm>>
    %dma_start3A_16 = arith.constant 0 : i32
    %dma_start3A_17 = tpu.memref_slice %arg2[%mul3A_14, %dma_start3A_16] : memref<100000x128xf32, #tpu.memory_space<hbm>> -> memref<128x128xf32, #tpu.memory_space<hbm>>
    tpu.enqueue_dma source(%dma_start3A_17 : memref<128x128xf32, #tpu.memory_space<hbm>>) target(%arg12 : memref<128x128xf32, #tpu.memory_space<vmem>>) target_semaphore(%arg20 : memref<!tpu.dma_semaphore, #tpu.memory_space<semaphore_mem>>)
    %mul3A_18 = arith.constant 128 : i32
    %mul3A_19 = arith.muli %add3A, %mul3A_18 : i32
    %dma_start3A_20 = tpu.memref_slice %arg3[%mul3A_19] : memref<100000xi32, #tpu.memory_space<hbm>> -> memref<128xi32, #tpu.memory_space<hbm>>
    %dma_start3A_21 = tpu.memref_slice %arg3[%mul3A_19] : memref<100000xi32, #tpu.memory_space<hbm>> -> memref<128xi32, #tpu.memory_space<hbm>>
    tpu.enqueue_dma source(%dma_start3A_21 : memref<128xi32, #tpu.memory_space<hbm>>) target(%arg15 : memref<128xi32, #tpu.memory_space<vmem>>) target_semaphore(%arg20 : memref<!tpu.dma_semaphore, #tpu.memory_space<semaphore_mem>>)
    %scan3A_22 = arith.constant 0 : i32
    %scan3A_23 = arith.constant 0 : i32
    %scan3A_24 = arith.constant 9 : i32
    %scan3A_25 = arith.addi %scan3A_23, %scan3A_24 : i32
    %scan3A_26 = arith.constant 1 : i32
    %scan3A_27 = scf.for %scan3A_31 = %scan3A_23 to %scan3A_25 step %scan3A_26 iter_args(%scan3A_32 = %scan3A_22) -> (i32)  : i32 {
      %mul3A_33 = arith.constant 3 : i32
      %mul3A_34 = arith.muli %scan3A_31, %mul3A_33 : i32
      %add3A_35 = arith.constant 0 : i32
      %add3A_36 = arith.addi %mul3A_34, %add3A_35 : i32
      %mul3A_37 = arith.constant 32 : i32
      %mul3A_38 = arith.muli %add3A_36, %mul3A_37 : i32
      %add3A_39 = arith.addi %mul3A_38, %add3A : i32
      %lt3A = arith.constant 781 : i32
      %lt3A_40 = arith.cmpi slt, %add3A_39, %lt3A : i32
      %convert_element_type3A_41 = arith.extui %lt3A_40 : i1 to i32
      %cond3A_42 = arith.constant 0 : i32
      %cond3A_43 = arith.cmpi ne, %convert_element_type3A_41, %cond3A_42 : i32
      scf.if %cond3A_43 {
        %mul3A_147 = arith.constant 128 : i32
        %mul3A_148 = arith.muli %add3A_39, %mul3A_147 : i32
        %dma_wait3A = arith.constant 0 : i32
        %dma_wait3A_149 = tpu.memref_slice %arg2[%mul3A_148, %dma_wait3A] : memref<100000x128xf32, #tpu.memory_space<hbm>> -> memref<128x128xf32, #tpu.memory_space<hbm>>
        %dma_wait3A_150 = arith.constant 0 : i32
        %dma_wait3A_151 = tpu.memref_slice %arg2[%mul3A_148, %dma_wait3A_150] : memref<100000x128xf32, #tpu.memory_space<hbm>> -> memref<128x128xf32, #tpu.memory_space<hbm>>
        tpu.wait_dma2 semaphore(%arg20 : memref<!tpu.dma_semaphore, #tpu.memory_space<semaphore_mem>>) src(%dma_wait3A_151 : memref<128x128xf32, #tpu.memory_space<hbm>>) dst(%arg12 : memref<128x128xf32, #tpu.memory_space<vmem>>)
        %dma_wait3A_152 = tpu.memref_slice %arg3[%mul3A_148] : memref<100000xi32, #tpu.memory_space<hbm>> -> memref<128xi32, #tpu.memory_space<hbm>>
        %dma_wait3A_153 = tpu.memref_slice %arg3[%mul3A_148] : memref<100000xi32, #tpu.memory_space<hbm>> -> memref<128xi32, #tpu.memory_space<hbm>>
        tpu.wait_dma2 semaphore(%arg20 : memref<!tpu.dma_semaphore, #tpu.memory_space<semaphore_mem>>) src(%dma_wait3A_153 : memref<128xi32, #tpu.memory_space<hbm>>) dst(%arg15 : memref<128xi32, #tpu.memory_space<vmem>>)
        %dma_start3A_154 = arith.constant 0 : i32
        %dma_start3A_155 = arith.constant 0 : i32
        %dma_start3A_156 = tpu.memref_slice %arg7[%dma_start3A_154, %dma_start3A_155] : memref<1024x128xf32, #tpu.memory_space<vmem_shared>> -> memref<1024x128xf32, #tpu.memory_space<vmem_shared>>
        tpu.enqueue_indirect_dma source(%dma_start3A_156 : memref<1024x128xf32, #tpu.memory_space<vmem_shared>>) target(%arg12 : memref<128x128xf32, #tpu.memory_space<vmem>>) offsets(%arg15 : memref<128xi32, #tpu.memory_space<vmem>>) semaphore(%arg23 : memref<!tpu.dma_semaphore, #tpu.memory_space<semaphore_mem>>) {add = true}
      } else {
      }
      %sub3A = arith.constant 32 : i32
      %sub3A_44 = arith.subi %add3A_39, %sub3A : i32
      %ge3A = arith.constant 0 : i32
      %ge3A_45 = arith.cmpi sge, %sub3A_44, %ge3A : i32
      %lt3A_46 = arith.constant 781 : i32
      %lt3A_47 = arith.cmpi slt, %sub3A_44, %lt3A_46 : i32
      %and3A = arith.andi %ge3A_45, %lt3A_47 : i1
      %convert_element_type3A_48 = arith.extui %and3A : i1 to i32
      %cond3A_49 = arith.constant 0 : i32
      %cond3A_50 = arith.cmpi ne, %convert_element_type3A_48, %cond3A_49 : i32
      scf.if %cond3A_50 {
        %dma_wait3A = arith.constant 0 : i32
        %dma_wait3A_147 = arith.constant 0 : i32
        %dma_wait3A_148 = tpu.memref_slice %arg7[%dma_wait3A, %dma_wait3A_147] : memref<1024x128xf32, #tpu.memory_space<vmem_shared>> -> memref<1024x128xf32, #tpu.memory_space<vmem_shared>>
        tpu.wait_indirect_dma semaphore(%arg25 : memref<!tpu.dma_semaphore, #tpu.memory_space<semaphore_mem>>) src(%dma_wait3A_148 : memref<1024x128xf32, #tpu.memory_space<vmem_shared>>) dst(%arg14 : memref<128x128xf32, #tpu.memory_space<vmem>>)
        %mul3A_149 = arith.constant 128 : i32
        %mul3A_150 = arith.muli %sub3A_44, %mul3A_149 : i32
        %dma_start3A_151 = arith.constant 0 : i32
        %dma_start3A_152 = tpu.memref_slice %arg6[%mul3A_150, %dma_start3A_151] : memref<100000x128xf32, #tpu.memory_space<hbm>> -> memref<128x128xf32, #tpu.memory_space<hbm>>
        %dma_start3A_153 = arith.constant 0 : i32
        %dma_start3A_154 = tpu.memref_slice %arg6[%mul3A_150, %dma_start3A_153] : memref<100000x128xf32, #tpu.memory_space<hbm>> -> memref<128x128xf32, #tpu.memory_space<hbm>>
        tpu.enqueue_dma source(%arg14 : memref<128x128xf32, #tpu.memory_space<vmem>>) target(%dma_start3A_154 : memref<128x128xf32, #tpu.memory_space<hbm>>) target_semaphore(%arg28 : memref<!tpu.dma_semaphore, #tpu.memory_space<semaphore_mem>>)
      } else {
      }
      %sub3A_51 = arith.constant 64 : i32
      %sub3A_52 = arith.subi %add3A_39, %sub3A_51 : i32
      %ge3A_53 = arith.constant 0 : i32
      %ge3A_54 = arith.cmpi sge, %sub3A_52, %ge3A_53 : i32
      %lt3A_55 = arith.constant 781 : i32
      %lt3A_56 = arith.cmpi slt, %sub3A_52, %lt3A_55 : i32
      %and3A_57 = arith.andi %ge3A_54, %lt3A_56 : i1
      %convert_element_type3A_58 = arith.extui %and3A_57 : i1 to i32
      %cond3A_59 = arith.constant 0 : i32
      %cond3A_60 = arith.cmpi ne, %convert_element_type3A_58, %cond3A_59 : i32
      scf.if %cond3A_60 {
        %mul3A_147 = arith.constant 128 : i32
        %mul3A_148 = arith.muli %sub3A_52, %mul3A_147 : i32
        %dma_wait3A = arith.constant 0 : i32
        %dma_wait3A_149 = tpu.memref_slice %arg6[%mul3A_148, %dma_wait3A] : memref<100000x128xf32, #tpu.memory_space<hbm>> -> memref<128x128xf32, #tpu.memory_space<hbm>>
        %dma_wait3A_150 = arith.constant 0 : i32
        %dma_wait3A_151 = tpu.memref_slice %arg6[%mul3A_148, %dma_wait3A_150] : memref<100000x128xf32, #tpu.memory_space<hbm>> -> memref<128x128xf32, #tpu.memory_space<hbm>>
        tpu.wait_dma2 semaphore(%arg27 : memref<!tpu.dma_semaphore, #tpu.memory_space<semaphore_mem>>) src(%arg13 : memref<128x128xf32, #tpu.memory_space<vmem>>) dst(%dma_wait3A_151 : memref<128x128xf32, #tpu.memory_space<hbm>>)
      } else {
      }
      %add3A_61 = arith.constant 32 : i32
      %add3A_62 = arith.addi %add3A_39, %add3A_61 : i32
      %lt3A_63 = arith.constant 781 : i32
      %lt3A_64 = arith.cmpi slt, %add3A_62, %lt3A_63 : i32
      %convert_element_type3A_65 = arith.extui %lt3A_64 : i1 to i32
      %cond3A_66 = arith.constant 0 : i32
      %cond3A_67 = arith.cmpi ne, %convert_element_type3A_65, %cond3A_66 : i32
      scf.if %cond3A_67 {
        %mul3A_147 = arith.constant 128 : i32
        %mul3A_148 = arith.muli %add3A_62, %mul3A_147 : i32
        %dma_start3A_149 = arith.constant 0 : i32
        %dma_start3A_150 = tpu.memref_slice %arg2[%mul3A_148, %dma_start3A_149] : memref<100000x128xf32, #tpu.memory_space<hbm>> -> memref<128x128xf32, #tpu.memory_space<hbm>>
        %dma_start3A_151 = arith.constant 0 : i32
        %dma_start3A_152 = tpu.memref_slice %arg2[%mul3A_148, %dma_start3A_151] : memref<100000x128xf32, #tpu.memory_space<hbm>> -> memref<128x128xf32, #tpu.memory_space<hbm>>
        tpu.enqueue_dma source(%dma_start3A_152 : memref<128x128xf32, #tpu.memory_space<hbm>>) target(%arg13 : memref<128x128xf32, #tpu.memory_space<vmem>>) target_semaphore(%arg21 : memref<!tpu.dma_semaphore, #tpu.memory_space<semaphore_mem>>)
        %dma_start3A_153 = tpu.memref_slice %arg3[%mul3A_148] : memref<100000xi32, #tpu.memory_space<hbm>> -> memref<128xi32, #tpu.memory_space<hbm>>
        %dma_start3A_154 = tpu.memref_slice %arg3[%mul3A_148] : memref<100000xi32, #tpu.memory_space<hbm>> -> memref<128xi32, #tpu.memory_space<hbm>>
        tpu.enqueue_dma source(%dma_start3A_154 : memref<128xi32, #tpu.memory_space<hbm>>) target(%arg16 : memref<128xi32, #tpu.memory_space<vmem>>) target_semaphore(%arg21 : memref<!tpu.dma_semaphore, #tpu.memory_space<semaphore_mem>>)
      } else {
      }
      %mul3A_68 = arith.constant 3 : i32
      %mul3A_69 = arith.muli %scan3A_31, %mul3A_68 : i32
      %add3A_70 = arith.constant 1 : i32
      %add3A_71 = arith.addi %mul3A_69, %add3A_70 : i32
      %mul3A_72 = arith.constant 32 : i32
      %mul3A_73 = arith.muli %add3A_71, %mul3A_72 : i32
      %add3A_74 = arith.addi %mul3A_73, %add3A : i32
      %lt3A_75 = arith.constant 781 : i32
      %lt3A_76 = arith.cmpi slt, %add3A_74, %lt3A_75 : i32
      %convert_element_type3A_77 = arith.extui %lt3A_76 : i1 to i32
      %cond3A_78 = arith.constant 0 : i32
      %cond3A_79 = arith.cmpi ne, %convert_element_type3A_77, %cond3A_78 : i32
      scf.if %cond3A_79 {
        %mul3A_147 = arith.constant 128 : i32
        %mul3A_148 = arith.muli %add3A_74, %mul3A_147 : i32
        %dma_wait3A = arith.constant 0 : i32
        %dma_wait3A_149 = tpu.memref_slice %arg2[%mul3A_148, %dma_wait3A] : memref<100000x128xf32, #tpu.memory_space<hbm>> -> memref<128x128xf32, #tpu.memory_space<hbm>>
        %dma_wait3A_150 = arith.constant 0 : i32
        %dma_wait3A_151 = tpu.memref_slice %arg2[%mul3A_148, %dma_wait3A_150] : memref<100000x128xf32, #tpu.memory_space<hbm>> -> memref<128x128xf32, #tpu.memory_space<hbm>>
        tpu.wait_dma2 semaphore(%arg21 : memref<!tpu.dma_semaphore, #tpu.memory_space<semaphore_mem>>) src(%dma_wait3A_151 : memref<128x128xf32, #tpu.memory_space<hbm>>) dst(%arg13 : memref<128x128xf32, #tpu.memory_space<vmem>>)
        %dma_wait3A_152 = tpu.memref_slice %arg3[%mul3A_148] : memref<100000xi32, #tpu.memory_space<hbm>> -> memref<128xi32, #tpu.memory_space<hbm>>
        %dma_wait3A_153 = tpu.memref_slice %arg3[%mul3A_148] : memref<100000xi32, #tpu.memory_space<hbm>> -> memref<128xi32, #tpu.memory_space<hbm>>
        tpu.wait_dma2 semaphore(%arg21 : memref<!tpu.dma_semaphore, #tpu.memory_space<semaphore_mem>>) src(%dma_wait3A_153 : memref<128xi32, #tpu.memory_space<hbm>>) dst(%arg16 : memref<128xi32, #tpu.memory_space<vmem>>)
        %dma_start3A_154 = arith.constant 0 : i32
        %dma_start3A_155 = arith.constant 0 : i32
        %dma_start3A_156 = tpu.memref_slice %arg7[%dma_start3A_154, %dma_start3A_155] : memref<1024x128xf32, #tpu.memory_space<vmem_shared>> -> memref<1024x128xf32, #tpu.memory_space<vmem_shared>>
        tpu.enqueue_indirect_dma source(%dma_start3A_156 : memref<1024x128xf32, #tpu.memory_space<vmem_shared>>) target(%arg13 : memref<128x128xf32, #tpu.memory_space<vmem>>) offsets(%arg16 : memref<128xi32, #tpu.memory_space<vmem>>) semaphore(%arg24 : memref<!tpu.dma_semaphore, #tpu.memory_space<semaphore_mem>>) {add = true}
      } else {
      }
      %sub3A_80 = arith.constant 32 : i32
      %sub3A_81 = arith.subi %add3A_74, %sub3A_80 : i32
      %ge3A_82 = arith.constant 0 : i32
      %ge3A_83 = arith.cmpi sge, %sub3A_81, %ge3A_82 : i32
      %lt3A_84 = arith.constant 781 : i32
      %lt3A_85 = arith.cmpi slt, %sub3A_81, %lt3A_84 : i32
      %and3A_86 = arith.andi %ge3A_83, %lt3A_85 : i1
      %convert_element_type3A_87 = arith.extui %and3A_86 : i1 to i32
      %cond3A_88 = arith.constant 0 : i32
      %cond3A_89 = arith.cmpi ne, %convert_element_type3A_87, %cond3A_88 : i32
      scf.if %cond3A_89 {
        %dma_wait3A = arith.constant 0 : i32
        %dma_wait3A_147 = arith.constant 0 : i32
        %dma_wait3A_148 = tpu.memref_slice %arg7[%dma_wait3A, %dma_wait3A_147] : memref<1024x128xf32, #tpu.memory_space<vmem_shared>> -> memref<1024x128xf32, #tpu.memory_space<vmem_shared>>
        tpu.wait_indirect_dma semaphore(%arg23 : memref<!tpu.dma_semaphore, #tpu.memory_space<semaphore_mem>>) src(%dma_wait3A_148 : memref<1024x128xf32, #tpu.memory_space<vmem_shared>>) dst(%arg12 : memref<128x128xf32, #tpu.memory_space<vmem>>)
        %mul3A_149 = arith.constant 128 : i32
        %mul3A_150 = arith.muli %sub3A_81, %mul3A_149 : i32
        %dma_start3A_151 = arith.constant 0 : i32
        %dma_start3A_152 = tpu.memref_slice %arg6[%mul3A_150, %dma_start3A_151] : memref<100000x128xf32, #tpu.memory_space<hbm>> -> memref<128x128xf32, #tpu.memory_space<hbm>>
        %dma_start3A_153 = arith.constant 0 : i32
        %dma_start3A_154 = tpu.memref_slice %arg6[%mul3A_150, %dma_start3A_153] : memref<100000x128xf32, #tpu.memory_space<hbm>> -> memref<128x128xf32, #tpu.memory_space<hbm>>
        tpu.enqueue_dma source(%arg12 : memref<128x128xf32, #tpu.memory_space<vmem>>) target(%dma_start3A_154 : memref<128x128xf32, #tpu.memory_space<hbm>>) target_semaphore(%arg26 : memref<!tpu.dma_semaphore, #tpu.memory_space<semaphore_mem>>)
      } else {
      }
      %sub3A_90 = arith.constant 64 : i32
      %sub3A_91 = arith.subi %add3A_74, %sub3A_90 : i32
      %ge3A_92 = arith.constant 0 : i32
      %ge3A_93 = arith.cmpi sge, %sub3A_91, %ge3A_92 : i32
      %lt3A_94 = arith.constant 781 : i32
      %lt3A_95 = arith.cmpi slt, %sub3A_91, %lt3A_94 : i32
      %and3A_96 = arith.andi %ge3A_93, %lt3A_95 : i1
      %convert_element_type3A_97 = arith.extui %and3A_96 : i1 to i32
      %cond3A_98 = arith.constant 0 : i32
      %cond3A_99 = arith.cmpi ne, %convert_element_type3A_97, %cond3A_98 : i32
      scf.if %cond3A_99 {
        %mul3A_147 = arith.constant 128 : i32
        %mul3A_148 = arith.muli %sub3A_91, %mul3A_147 : i32
        %dma_wait3A = arith.constant 0 : i32
        %dma_wait3A_149 = tpu.memref_slice %arg6[%mul3A_148, %dma_wait3A] : memref<100000x128xf32, #tpu.memory_space<hbm>> -> memref<128x128xf32, #tpu.memory_space<hbm>>
        %dma_wait3A_150 = arith.constant 0 : i32
        %dma_wait3A_151 = tpu.memref_slice %arg6[%mul3A_148, %dma_wait3A_150] : memref<100000x128xf32, #tpu.memory_space<hbm>> -> memref<128x128xf32, #tpu.memory_space<hbm>>
        tpu.wait_dma2 semaphore(%arg28 : memref<!tpu.dma_semaphore, #tpu.memory_space<semaphore_mem>>) src(%arg14 : memref<128x128xf32, #tpu.memory_space<vmem>>) dst(%dma_wait3A_151 : memref<128x128xf32, #tpu.memory_space<hbm>>)
      } else {
      }
      %add3A_100 = arith.constant 32 : i32
      %add3A_101 = arith.addi %add3A_74, %add3A_100 : i32
      %lt3A_102 = arith.constant 781 : i32
      %lt3A_103 = arith.cmpi slt, %add3A_101, %lt3A_102 : i32
      %convert_element_type3A_104 = arith.extui %lt3A_103 : i1 to i32
      %cond3A_105 = arith.constant 0 : i32
      %cond3A_106 = arith.cmpi ne, %convert_element_type3A_104, %cond3A_105 : i32
      scf.if %cond3A_106 {
        %mul3A_147 = arith.constant 128 : i32
        %mul3A_148 = arith.muli %add3A_101, %mul3A_147 : i32
        %dma_start3A_149 = arith.constant 0 : i32
        %dma_start3A_150 = tpu.memref_slice %arg2[%mul3A_148, %dma_start3A_149] : memref<100000x128xf32, #tpu.memory_space<hbm>> -> memref<128x128xf32, #tpu.memory_space<hbm>>
        %dma_start3A_151 = arith.constant 0 : i32
        %dma_start3A_152 = tpu.memref_slice %arg2[%mul3A_148, %dma_start3A_151] : memref<100000x128xf32, #tpu.memory_space<hbm>> -> memref<128x128xf32, #tpu.memory_space<hbm>>
        tpu.enqueue_dma source(%dma_start3A_152 : memref<128x128xf32, #tpu.memory_space<hbm>>) target(%arg14 : memref<128x128xf32, #tpu.memory_space<vmem>>) target_semaphore(%arg22 : memref<!tpu.dma_semaphore, #tpu.memory_space<semaphore_mem>>)
        %dma_start3A_153 = tpu.memref_slice %arg3[%mul3A_148] : memref<100000xi32, #tpu.memory_space<hbm>> -> memref<128xi32, #tpu.memory_space<hbm>>
        %dma_start3A_154 = tpu.memref_slice %arg3[%mul3A_148] : memref<100000xi32, #tpu.memory_space<hbm>> -> memref<128xi32, #tpu.memory_space<hbm>>
        tpu.enqueue_dma source(%dma_start3A_154 : memref<128xi32, #tpu.memory_space<hbm>>) target(%arg17 : memref<128xi32, #tpu.memory_space<vmem>>) target_semaphore(%arg22 : memref<!tpu.dma_semaphore, #tpu.memory_space<semaphore_mem>>)
      } else {
      }
      %mul3A_107 = arith.constant 3 : i32
      %mul3A_108 = arith.muli %scan3A_31, %mul3A_107 : i32
      %add3A_109 = arith.constant 2 : i32
      %add3A_110 = arith.addi %mul3A_108, %add3A_109 : i32
      %mul3A_111 = arith.constant 32 : i32
      %mul3A_112 = arith.muli %add3A_110, %mul3A_111 : i32
      %add3A_113 = arith.addi %mul3A_112, %add3A : i32
      %lt3A_114 = arith.constant 781 : i32
      %lt3A_115 = arith.cmpi slt, %add3A_113, %lt3A_114 : i32
      %convert_element_type3A_116 = arith.extui %lt3A_115 : i1 to i32
      %cond3A_117 = arith.constant 0 : i32
      %cond3A_118 = arith.cmpi ne, %convert_element_type3A_116, %cond3A_117 : i32
      scf.if %cond3A_118 {
        %mul3A_147 = arith.constant 128 : i32
        %mul3A_148 = arith.muli %add3A_113, %mul3A_147 : i32
        %dma_wait3A = arith.constant 0 : i32
        %dma_wait3A_149 = tpu.memref_slice %arg2[%mul3A_148, %dma_wait3A] : memref<100000x128xf32, #tpu.memory_space<hbm>> -> memref<128x128xf32, #tpu.memory_space<hbm>>
        %dma_wait3A_150 = arith.constant 0 : i32
        %dma_wait3A_151 = tpu.memref_slice %arg2[%mul3A_148, %dma_wait3A_150] : memref<100000x128xf32, #tpu.memory_space<hbm>> -> memref<128x128xf32, #tpu.memory_space<hbm>>
        tpu.wait_dma2 semaphore(%arg22 : memref<!tpu.dma_semaphore, #tpu.memory_space<semaphore_mem>>) src(%dma_wait3A_151 : memref<128x128xf32, #tpu.memory_space<hbm>>) dst(%arg14 : memref<128x128xf32, #tpu.memory_space<vmem>>)
        %dma_wait3A_152 = tpu.memref_slice %arg3[%mul3A_148] : memref<100000xi32, #tpu.memory_space<hbm>> -> memref<128xi32, #tpu.memory_space<hbm>>
        %dma_wait3A_153 = tpu.memref_slice %arg3[%mul3A_148] : memref<100000xi32, #tpu.memory_space<hbm>> -> memref<128xi32, #tpu.memory_space<hbm>>
        tpu.wait_dma2 semaphore(%arg22 : memref<!tpu.dma_semaphore, #tpu.memory_space<semaphore_mem>>) src(%dma_wait3A_153 : memref<128xi32, #tpu.memory_space<hbm>>) dst(%arg17 : memref<128xi32, #tpu.memory_space<vmem>>)
        %dma_start3A_154 = arith.constant 0 : i32
        %dma_start3A_155 = arith.constant 0 : i32
        %dma_start3A_156 = tpu.memref_slice %arg7[%dma_start3A_154, %dma_start3A_155] : memref<1024x128xf32, #tpu.memory_space<vmem_shared>> -> memref<1024x128xf32, #tpu.memory_space<vmem_shared>>
        tpu.enqueue_indirect_dma source(%dma_start3A_156 : memref<1024x128xf32, #tpu.memory_space<vmem_shared>>) target(%arg14 : memref<128x128xf32, #tpu.memory_space<vmem>>) offsets(%arg17 : memref<128xi32, #tpu.memory_space<vmem>>) semaphore(%arg25 : memref<!tpu.dma_semaphore, #tpu.memory_space<semaphore_mem>>) {add = true}
      } else {
      }
      %sub3A_119 = arith.constant 32 : i32
      %sub3A_120 = arith.subi %add3A_113, %sub3A_119 : i32
      %ge3A_121 = arith.constant 0 : i32
      %ge3A_122 = arith.cmpi sge, %sub3A_120, %ge3A_121 : i32
      %lt3A_123 = arith.constant 781 : i32
      %lt3A_124 = arith.cmpi slt, %sub3A_120, %lt3A_123 : i32
      %and3A_125 = arith.andi %ge3A_122, %lt3A_124 : i1
      %convert_element_type3A_126 = arith.extui %and3A_125 : i1 to i32
      %cond3A_127 = arith.constant 0 : i32
      %cond3A_128 = arith.cmpi ne, %convert_element_type3A_126, %cond3A_127 : i32
      scf.if %cond3A_128 {
        %dma_wait3A = arith.constant 0 : i32
        %dma_wait3A_147 = arith.constant 0 : i32
        %dma_wait3A_148 = tpu.memref_slice %arg7[%dma_wait3A, %dma_wait3A_147] : memref<1024x128xf32, #tpu.memory_space<vmem_shared>> -> memref<1024x128xf32, #tpu.memory_space<vmem_shared>>
        tpu.wait_indirect_dma semaphore(%arg24 : memref<!tpu.dma_semaphore, #tpu.memory_space<semaphore_mem>>) src(%dma_wait3A_148 : memref<1024x128xf32, #tpu.memory_space<vmem_shared>>) dst(%arg13 : memref<128x128xf32, #tpu.memory_space<vmem>>)
        %mul3A_149 = arith.constant 128 : i32
        %mul3A_150 = arith.muli %sub3A_120, %mul3A_149 : i32
        %dma_start3A_151 = arith.constant 0 : i32
        %dma_start3A_152 = tpu.memref_slice %arg6[%mul3A_150, %dma_start3A_151] : memref<100000x128xf32, #tpu.memory_space<hbm>> -> memref<128x128xf32, #tpu.memory_space<hbm>>
        %dma_start3A_153 = arith.constant 0 : i32
        %dma_start3A_154 = tpu.memref_slice %arg6[%mul3A_150, %dma_start3A_153] : memref<100000x128xf32, #tpu.memory_space<hbm>> -> memref<128x128xf32, #tpu.memory_space<hbm>>
        tpu.enqueue_dma source(%arg13 : memref<128x128xf32, #tpu.memory_space<vmem>>) target(%dma_start3A_154 : memref<128x128xf32, #tpu.memory_space<hbm>>) target_semaphore(%arg27 : memref<!tpu.dma_semaphore, #tpu.memory_space<semaphore_mem>>)
      } else {
      }
      %sub3A_129 = arith.constant 64 : i32
      %sub3A_130 = arith.subi %add3A_113, %sub3A_129 : i32
      %ge3A_131 = arith.constant 0 : i32
      %ge3A_132 = arith.cmpi sge, %sub3A_130, %ge3A_131 : i32
      %lt3A_133 = arith.constant 781 : i32
      %lt3A_134 = arith.cmpi slt, %sub3A_130, %lt3A_133 : i32
      %and3A_135 = arith.andi %ge3A_132, %lt3A_134 : i1
      %convert_element_type3A_136 = arith.extui %and3A_135 : i1 to i32
      %cond3A_137 = arith.constant 0 : i32
      %cond3A_138 = arith.cmpi ne, %convert_element_type3A_136, %cond3A_137 : i32
      scf.if %cond3A_138 {
        %mul3A_147 = arith.constant 128 : i32
        %mul3A_148 = arith.muli %sub3A_130, %mul3A_147 : i32
        %dma_wait3A = arith.constant 0 : i32
        %dma_wait3A_149 = tpu.memref_slice %arg6[%mul3A_148, %dma_wait3A] : memref<100000x128xf32, #tpu.memory_space<hbm>> -> memref<128x128xf32, #tpu.memory_space<hbm>>
        %dma_wait3A_150 = arith.constant 0 : i32
        %dma_wait3A_151 = tpu.memref_slice %arg6[%mul3A_148, %dma_wait3A_150] : memref<100000x128xf32, #tpu.memory_space<hbm>> -> memref<128x128xf32, #tpu.memory_space<hbm>>
        tpu.wait_dma2 semaphore(%arg26 : memref<!tpu.dma_semaphore, #tpu.memory_space<semaphore_mem>>) src(%arg12 : memref<128x128xf32, #tpu.memory_space<vmem>>) dst(%dma_wait3A_151 : memref<128x128xf32, #tpu.memory_space<hbm>>)
      } else {
      }
      %add3A_139 = arith.constant 32 : i32
      %add3A_140 = arith.addi %add3A_113, %add3A_139 : i32
      %lt3A_141 = arith.constant 781 : i32
      %lt3A_142 = arith.cmpi slt, %add3A_140, %lt3A_141 : i32
      %convert_element_type3A_143 = arith.extui %lt3A_142 : i1 to i32
      %cond3A_144 = arith.constant 0 : i32
      %cond3A_145 = arith.cmpi ne, %convert_element_type3A_143, %cond3A_144 : i32
      scf.if %cond3A_145 {
        %mul3A_147 = arith.constant 128 : i32
        %mul3A_148 = arith.muli %add3A_140, %mul3A_147 : i32
        %dma_start3A_149 = arith.constant 0 : i32
        %dma_start3A_150 = tpu.memref_slice %arg2[%mul3A_148, %dma_start3A_149] : memref<100000x128xf32, #tpu.memory_space<hbm>> -> memref<128x128xf32, #tpu.memory_space<hbm>>
        %dma_start3A_151 = arith.constant 0 : i32
        %dma_start3A_152 = tpu.memref_slice %arg2[%mul3A_148, %dma_start3A_151] : memref<100000x128xf32, #tpu.memory_space<hbm>> -> memref<128x128xf32, #tpu.memory_space<hbm>>
        tpu.enqueue_dma source(%dma_start3A_152 : memref<128x128xf32, #tpu.memory_space<hbm>>) target(%arg12 : memref<128x128xf32, #tpu.memory_space<vmem>>) target_semaphore(%arg20 : memref<!tpu.dma_semaphore, #tpu.memory_space<semaphore_mem>>)
        %dma_start3A_153 = tpu.memref_slice %arg3[%mul3A_148] : memref<100000xi32, #tpu.memory_space<hbm>> -> memref<128xi32, #tpu.memory_space<hbm>>
        %dma_start3A_154 = tpu.memref_slice %arg3[%mul3A_148] : memref<100000xi32, #tpu.memory_space<hbm>> -> memref<128xi32, #tpu.memory_space<hbm>>
        tpu.enqueue_dma source(%dma_start3A_154 : memref<128xi32, #tpu.memory_space<hbm>>) target(%arg15 : memref<128xi32, #tpu.memory_space<vmem>>) target_semaphore(%arg20 : memref<!tpu.dma_semaphore, #tpu.memory_space<semaphore_mem>>)
      } else {
      }
      %scan3A_146 = arith.constant 0 : i32
      scf.yield %scan3A_146 : i32
    }
    %scan3A_28 = arith.constant 9 : i32
    %eq3A = arith.constant 31 : i32
    %eq3A_29 = arith.cmpi eq, %add3A, %eq3A : i32
    %convert_element_type3A = arith.extui %eq3A_29 : i1 to i32
    %cond3A = arith.constant 0 : i32
    %cond3A_30 = arith.cmpi ne, %convert_element_type3A, %cond3A : i32
    scf.if %cond3A_30 {
      "tpu.region"() ({
        %run_scoped3A = tpu.sem_alloc : memref<!tpu.dma_semaphore, #tpu.memory_space<semaphore_mem>>
        %dma_start3A_31 = arith.constant 99968 : i32
        %dma_start3A_32 = arith.constant 0 : i32
        %dma_start3A_33 = tpu.memref_slice %arg2[%dma_start3A_31, %dma_start3A_32] : memref<100000x128xf32, #tpu.memory_space<hbm>> -> memref<32x128xf32, #tpu.memory_space<hbm>>
        %dma_start3A_34 = arith.constant 99968 : i32
        %dma_start3A_35 = arith.constant 0 : i32
        %dma_start3A_36 = tpu.memref_slice %arg2[%dma_start3A_34, %dma_start3A_35] : memref<100000x128xf32, #tpu.memory_space<hbm>> -> memref<32x128xf32, #tpu.memory_space<hbm>>
        tpu.enqueue_dma source(%dma_start3A_36 : memref<32x128xf32, #tpu.memory_space<hbm>>) target(%arg18 : memref<32x128xf32, #tpu.memory_space<vmem>>) target_semaphore(%run_scoped3A : memref<!tpu.dma_semaphore, #tpu.memory_space<semaphore_mem>>)
        %dma_wait3A = arith.constant 99968 : i32
        %dma_wait3A_37 = arith.constant 0 : i32
        %dma_wait3A_38 = tpu.memref_slice %arg2[%dma_wait3A, %dma_wait3A_37] : memref<100000x128xf32, #tpu.memory_space<hbm>> -> memref<32x128xf32, #tpu.memory_space<hbm>>
        %dma_wait3A_39 = arith.constant 99968 : i32
        %dma_wait3A_40 = arith.constant 0 : i32
        %dma_wait3A_41 = tpu.memref_slice %arg2[%dma_wait3A_39, %dma_wait3A_40] : memref<100000x128xf32, #tpu.memory_space<hbm>> -> memref<32x128xf32, #tpu.memory_space<hbm>>
        tpu.wait_dma2 semaphore(%run_scoped3A : memref<!tpu.dma_semaphore, #tpu.memory_space<semaphore_mem>>) src(%dma_wait3A_41 : memref<32x128xf32, #tpu.memory_space<hbm>>) dst(%arg18 : memref<32x128xf32, #tpu.memory_space<vmem>>)
        tpu.yield
      }) : () -> ()
      "tpu.region"() ({
        %run_scoped3A = tpu.sem_alloc : memref<!tpu.dma_semaphore, #tpu.memory_space<semaphore_mem>>
        %dma_start3A_31 = arith.constant 99968 : i32
        %dma_start3A_32 = tpu.memref_slice %arg3[%dma_start3A_31] : memref<100000xi32, #tpu.memory_space<hbm>> -> memref<32xi32, #tpu.memory_space<hbm>>
        %dma_start3A_33 = arith.constant 99968 : i32
        %dma_start3A_34 = tpu.memref_slice %arg3[%dma_start3A_33] : memref<100000xi32, #tpu.memory_space<hbm>> -> memref<32xi32, #tpu.memory_space<hbm>>
        tpu.enqueue_dma source(%dma_start3A_34 : memref<32xi32, #tpu.memory_space<hbm>>) target(%arg19 : memref<32xi32, #tpu.memory_space<vmem>>) target_semaphore(%run_scoped3A : memref<!tpu.dma_semaphore, #tpu.memory_space<semaphore_mem>>)
        %dma_wait3A = arith.constant 99968 : i32
        %dma_wait3A_35 = tpu.memref_slice %arg3[%dma_wait3A] : memref<100000xi32, #tpu.memory_space<hbm>> -> memref<32xi32, #tpu.memory_space<hbm>>
        %dma_wait3A_36 = arith.constant 99968 : i32
        %dma_wait3A_37 = tpu.memref_slice %arg3[%dma_wait3A_36] : memref<100000xi32, #tpu.memory_space<hbm>> -> memref<32xi32, #tpu.memory_space<hbm>>
        tpu.wait_dma2 semaphore(%run_scoped3A : memref<!tpu.dma_semaphore, #tpu.memory_space<semaphore_mem>>) src(%dma_wait3A_37 : memref<32xi32, #tpu.memory_space<hbm>>) dst(%arg19 : memref<32xi32, #tpu.memory_space<vmem>>)
        tpu.yield
      }) : () -> ()
      "tpu.region"() ({
        %run_scoped3A = tpu.sem_alloc : memref<!tpu.dma_semaphore, #tpu.memory_space<semaphore_mem>>
        %dma_start3A_31 = arith.constant 0 : i32
        %dma_start3A_32 = arith.constant 0 : i32
        %dma_start3A_33 = tpu.memref_slice %arg7[%dma_start3A_31, %dma_start3A_32] : memref<1024x128xf32, #tpu.memory_space<vmem_shared>> -> memref<1024x128xf32, #tpu.memory_space<vmem_shared>>
        tpu.enqueue_indirect_dma source(%dma_start3A_33 : memref<1024x128xf32, #tpu.memory_space<vmem_shared>>) target(%arg18 : memref<32x128xf32, #tpu.memory_space<vmem>>) offsets(%arg19 : memref<32xi32, #tpu.memory_space<vmem>>) semaphore(%run_scoped3A : memref<!tpu.dma_semaphore, #tpu.memory_space<semaphore_mem>>) {add = true}
        %dma_wait3A = arith.constant 0 : i32
        %dma_wait3A_34 = arith.constant 0 : i32
        %dma_wait3A_35 = tpu.memref_slice %arg7[%dma_wait3A, %dma_wait3A_34] : memref<1024x128xf32, #tpu.memory_space<vmem_shared>> -> memref<1024x128xf32, #tpu.memory_space<vmem_shared>>
        tpu.wait_indirect_dma semaphore(%run_scoped3A : memref<!tpu.dma_semaphore, #tpu.memory_space<semaphore_mem>>) src(%dma_wait3A_35 : memref<1024x128xf32, #tpu.memory_space<vmem_shared>>) dst(%arg18 : memref<32x128xf32, #tpu.memory_space<vmem>>)
        tpu.yield
      }) : () -> ()
      "tpu.region"() ({
        %run_scoped3A = tpu.sem_alloc : memref<!tpu.dma_semaphore, #tpu.memory_space<semaphore_mem>>
        %dma_start3A_31 = arith.constant 99968 : i32
        %dma_start3A_32 = arith.constant 0 : i32
        %dma_start3A_33 = tpu.memref_slice %arg6[%dma_start3A_31, %dma_start3A_32] : memref<100000x128xf32, #tpu.memory_space<hbm>> -> memref<32x128xf32, #tpu.memory_space<hbm>>
        %dma_start3A_34 = arith.constant 99968 : i32
        %dma_start3A_35 = arith.constant 0 : i32
        %dma_start3A_36 = tpu.memref_slice %arg6[%dma_start3A_34, %dma_start3A_35] : memref<100000x128xf32, #tpu.memory_space<hbm>> -> memref<32x128xf32, #tpu.memory_space<hbm>>
        tpu.enqueue_dma source(%arg18 : memref<32x128xf32, #tpu.memory_space<vmem>>) target(%dma_start3A_36 : memref<32x128xf32, #tpu.memory_space<hbm>>) target_semaphore(%run_scoped3A : memref<!tpu.dma_semaphore, #tpu.memory_space<semaphore_mem>>)
        %dma_wait3A = arith.constant 99968 : i32
        %dma_wait3A_37 = arith.constant 0 : i32
        %dma_wait3A_38 = tpu.memref_slice %arg6[%dma_wait3A, %dma_wait3A_37] : memref<100000x128xf32, #tpu.memory_space<hbm>> -> memref<32x128xf32, #tpu.memory_space<hbm>>
        %dma_wait3A_39 = arith.constant 99968 : i32
        %dma_wait3A_40 = arith.constant 0 : i32
        %dma_wait3A_41 = tpu.memref_slice %arg6[%dma_wait3A_39, %dma_wait3A_40] : memref<100000x128xf32, #tpu.memory_space<hbm>> -> memref<32x128xf32, #tpu.memory_space<hbm>>
        tpu.wait_dma2 semaphore(%run_scoped3A : memref<!tpu.dma_semaphore, #tpu.memory_space<semaphore_mem>>) src(%arg18 : memref<32x128xf32, #tpu.memory_space<vmem>>) dst(%dma_wait3A_41 : memref<32x128xf32, #tpu.memory_space<hbm>>)
        tpu.yield
      }) : () -> ()
    } else {
    }
    return
  }
}

#map = affine_map<(d0, d1) -> (0, 0)>
#map1 = affine_map<(d0, d1) -> (0)>
module attributes {stable_mosaic.version = 14 : i64} {
  func.func @_seg_sums(%arg0: i32, %arg1: i32, %arg2: memref<100000x128xf32, #tpu.memory_space<hbm>>, %arg3: memref<100000xi32, #tpu.memory_space<hbm>>, %arg4: memref<2048x128xf32, #tpu.memory_space<hbm>>, %arg5: memref<2048x128xf32, #tpu.memory_space<hbm>>, %arg6: memref<1024x128xf32, #tpu.memory_space<vmem_shared>>, %arg7: memref<1024x128xf32, #tpu.memory_space<vmem_shared>>, %arg8: memref<64x128xf32, #tpu.memory_space<vmem>>, %arg9: memref<64x128xf32, #tpu.memory_space<vmem>>, %arg10: memref<128x128xf32, #tpu.memory_space<vmem>>, %arg11: memref<128x128xf32, #tpu.memory_space<vmem>>, %arg12: memref<128x128xf32, #tpu.memory_space<vmem>>, %arg13: memref<128x128xf32, #tpu.memory_space<vmem>>, %arg14: memref<128xi32, #tpu.memory_space<vmem>>, %arg15: memref<128xi32, #tpu.memory_space<vmem>>, %arg16: memref<128xi32, #tpu.memory_space<vmem>>, %arg17: memref<32x128xf32, #tpu.memory_space<vmem>>, %arg18: memref<32xi32, #tpu.memory_space<vmem>>, %arg19: memref<!tpu.dma_semaphore, #tpu.memory_space<semaphore_mem>>, %arg20: memref<!tpu.dma_semaphore, #tpu.memory_space<semaphore_mem>>, %arg21: memref<!tpu.dma_semaphore, #tpu.memory_space<semaphore_mem>>, %arg22: memref<!tpu.dma_semaphore, #tpu.memory_space<semaphore_mem>>, %arg23: memref<!tpu.dma_semaphore, #tpu.memory_space<semaphore_mem>>, %arg24: memref<!tpu.dma_semaphore, #tpu.memory_space<semaphore_mem>>) attributes {dimension_semantics = [#tpu.dimension_semantics<core_parallel>, #tpu.dimension_semantics<subcore_parallel>], iteration_bounds = array<i64: 2, 16>, scalar_prefetch = 0 : i64, scratch_operands = 19 : i64, tpu.core_type = #tpu.core_type<sc_vector_subcore>, window_params = [{transform_indices = #map}, {transform_indices = #map1}, {transform_indices = #map}, {transform_indices = #map}]} {
    %mul3A = arith.constant 2 : i32
    %mul3A_0 = arith.muli %arg1, %mul3A : i32
    %add3A = arith.addi %mul3A_0, %arg0 : i32
    %broadcast_in_dim3A = arith.constant 0.000000e+00 : f32
    %broadcast_in_dim3A_1 = vector.broadcast %broadcast_in_dim3A : f32 to vector<16xf32>
    %broadcast_in_dim3A_2 = arith.constant 1.000000e+00 : f32
    %broadcast_in_dim3A_3 = vector.broadcast %broadcast_in_dim3A_2 : f32 to vector<16xf32>
    %scan3A = arith.constant 0 : i32
    %scan3A_4 = arith.constant 0 : i32
    %scan3A_5 = arith.constant 64 : i32
    %scan3A_6 = arith.addi %scan3A_4, %scan3A_5 : i32
    %scan3A_7 = arith.constant 1 : i32
    %scan3A_8 = scf.for %scan3A_48 = %scan3A_4 to %scan3A_6 step %scan3A_7 iter_args(%scan3A_49 = %scan3A) -> (i32)  : i32 {
      %swap3A = arith.index_cast %scan3A_48 : i32 to index
      %swap3A_50 = arith.constant 0 : index
      %swap3A_51 = tpu.vector_load %arg8[%swap3A, %swap3A_50] {strides = array<i32>} : memref<64x128xf32, #tpu.memory_space<vmem>>, vector<1x16xf32>,
      %swap3A_52 = vector.shape_cast %swap3A_51 : vector<1x16xf32> to vector<16xf32>
      %swap3A_53 = vector.shape_cast %broadcast_in_dim3A_1 : vector<16xf32> to vector<1x16xf32>
      tpu.vector_store %arg8[%swap3A, %swap3A_50], %swap3A_53 {strides = array<i32>} : memref<64x128xf32, #tpu.memory_space<vmem>>, vector<1x16xf32>,
      %swap3A_54 = arith.index_cast %scan3A_48 : i32 to index
      %swap3A_55 = arith.constant 0 : index
      %swap3A_56 = tpu.vector_load %arg9[%swap3A_54, %swap3A_55] {strides = array<i32>} : memref<64x128xf32, #tpu.memory_space<vmem>>, vector<1x16xf32>,
      %swap3A_57 = vector.shape_cast %swap3A_56 : vector<1x16xf32> to vector<16xf32>
      %swap3A_58 = vector.shape_cast %broadcast_in_dim3A_1 : vector<16xf32> to vector<1x16xf32>
      tpu.vector_store %arg9[%swap3A_54, %swap3A_55], %swap3A_58 {strides = array<i32>} : memref<64x128xf32, #tpu.memory_space<vmem>>, vector<1x16xf32>,
      %swap3A_59 = arith.index_cast %scan3A_48 : i32 to index
      %swap3A_60 = arith.constant 16 : index
      %swap3A_61 = tpu.vector_load %arg8[%swap3A_59, %swap3A_60] {strides = array<i32>} : memref<64x128xf32, #tpu.memory_space<vmem>>, vector<1x16xf32>,
      %swap3A_62 = vector.shape_cast %swap3A_61 : vector<1x16xf32> to vector<16xf32>
      %swap3A_63 = vector.shape_cast %broadcast_in_dim3A_1 : vector<16xf32> to vector<1x16xf32>
      tpu.vector_store %arg8[%swap3A_59, %swap3A_60], %swap3A_63 {strides = array<i32>} : memref<64x128xf32, #tpu.memory_space<vmem>>, vector<1x16xf32>,
      %swap3A_64 = arith.index_cast %scan3A_48 : i32 to index
      %swap3A_65 = arith.constant 16 : index
      %swap3A_66 = tpu.vector_load %arg9[%swap3A_64, %swap3A_65] {strides = array<i32>} : memref<64x128xf32, #tpu.memory_space<vmem>>, vector<1x16xf32>,
      %swap3A_67 = vector.shape_cast %swap3A_66 : vector<1x16xf32> to vector<16xf32>
      %swap3A_68 = vector.shape_cast %broadcast_in_dim3A_1 : vector<16xf32> to vector<1x16xf32>
      tpu.vector_store %arg9[%swap3A_64, %swap3A_65], %swap3A_68 {strides = array<i32>} : memref<64x128xf32, #tpu.memory_space<vmem>>, vector<1x16xf32>,
      %swap3A_69 = arith.index_cast %scan3A_48 : i32 to index
      %swap3A_70 = arith.constant 32 : index
      %swap3A_71 = tpu.vector_load %arg8[%swap3A_69, %swap3A_70] {strides = array<i32>} : memref<64x128xf32, #tpu.memory_space<vmem>>, vector<1x16xf32>,
      %swap3A_72 = vector.shape_cast %swap3A_71 : vector<1x16xf32> to vector<16xf32>
      %swap3A_73 = vector.shape_cast %broadcast_in_dim3A_1 : vector<16xf32> to vector<1x16xf32>
      tpu.vector_store %arg8[%swap3A_69, %swap3A_70], %swap3A_73 {strides = array<i32>} : memref<64x128xf32, #tpu.memory_space<vmem>>, vector<1x16xf32>,
      %swap3A_74 = arith.index_cast %scan3A_48 : i32 to index
      %swap3A_75 = arith.constant 32 : index
      %swap3A_76 = tpu.vector_load %arg9[%swap3A_74, %swap3A_75] {strides = array<i32>} : memref<64x128xf32, #tpu.memory_space<vmem>>, vector<1x16xf32>,
      %swap3A_77 = vector.shape_cast %swap3A_76 : vector<1x16xf32> to vector<16xf32>
      %swap3A_78 = vector.shape_cast %broadcast_in_dim3A_1 : vector<16xf32> to vector<1x16xf32>
      tpu.vector_store %arg9[%swap3A_74, %swap3A_75], %swap3A_78 {strides = array<i32>} : memref<64x128xf32, #tpu.memory_space<vmem>>, vector<1x16xf32>,
      %swap3A_79 = arith.index_cast %scan3A_48 : i32 to index
      %swap3A_80 = arith.constant 48 : index
      %swap3A_81 = tpu.vector_load %arg8[%swap3A_79, %swap3A_80] {strides = array<i32>} : memref<64x128xf32, #tpu.memory_space<vmem>>, vector<1x16xf32>,
      %swap3A_82 = vector.shape_cast %swap3A_81 : vector<1x16xf32> to vector<16xf32>
      %swap3A_83 = vector.shape_cast %broadcast_in_dim3A_1 : vector<16xf32> to vector<1x16xf32>
      tpu.vector_store %arg8[%swap3A_79, %swap3A_80], %swap3A_83 {strides = array<i32>} : memref<64x128xf32, #tpu.memory_space<vmem>>, vector<1x16xf32>,
      %swap3A_84 = arith.index_cast %scan3A_48 : i32 to index
      %swap3A_85 = arith.constant 48 : index
      %swap3A_86 = tpu.vector_load %arg9[%swap3A_84, %swap3A_85] {strides = array<i32>} : memref<64x128xf32, #tpu.memory_space<vmem>>, vector<1x16xf32>,
      %swap3A_87 = vector.shape_cast %swap3A_86 : vector<1x16xf32> to vector<16xf32>
      %swap3A_88 = vector.shape_cast %broadcast_in_dim3A_1 : vector<16xf32> to vector<1x16xf32>
      tpu.vector_store %arg9[%swap3A_84, %swap3A_85], %swap3A_88 {strides = array<i32>} : memref<64x128xf32, #tpu.memory_space<vmem>>, vector<1x16xf32>,
      %swap3A_89 = arith.index_cast %scan3A_48 : i32 to index
      %swap3A_90 = arith.constant 64 : index
      %swap3A_91 = tpu.vector_load %arg8[%swap3A_89, %swap3A_90] {strides = array<i32>} : memref<64x128xf32, #tpu.memory_space<vmem>>, vector<1x16xf32>,
      %swap3A_92 = vector.shape_cast %swap3A_91 : vector<1x16xf32> to vector<16xf32>
      %swap3A_93 = vector.shape_cast %broadcast_in_dim3A_1 : vector<16xf32> to vector<1x16xf32>
      tpu.vector_store %arg8[%swap3A_89, %swap3A_90], %swap3A_93 {strides = array<i32>} : memref<64x128xf32, #tpu.memory_space<vmem>>, vector<1x16xf32>,
      %swap3A_94 = arith.index_cast %scan3A_48 : i32 to index
      %swap3A_95 = arith.constant 64 : index
      %swap3A_96 = tpu.vector_load %arg9[%swap3A_94, %swap3A_95] {strides = array<i32>} : memref<64x128xf32, #tpu.memory_space<vmem>>, vector<1x16xf32>,
      %swap3A_97 = vector.shape_cast %swap3A_96 : vector<1x16xf32> to vector<16xf32>
      %swap3A_98 = vector.shape_cast %broadcast_in_dim3A_1 : vector<16xf32> to vector<1x16xf32>
      tpu.vector_store %arg9[%swap3A_94, %swap3A_95], %swap3A_98 {strides = array<i32>} : memref<64x128xf32, #tpu.memory_space<vmem>>, vector<1x16xf32>,
      %swap3A_99 = arith.index_cast %scan3A_48 : i32 to index
      %swap3A_100 = arith.constant 80 : index
      %swap3A_101 = tpu.vector_load %arg8[%swap3A_99, %swap3A_100] {strides = array<i32>} : memref<64x128xf32, #tpu.memory_space<vmem>>, vector<1x16xf32>,
      %swap3A_102 = vector.shape_cast %swap3A_101 : vector<1x16xf32> to vector<16xf32>
      %swap3A_103 = vector.shape_cast %broadcast_in_dim3A_1 : vector<16xf32> to vector<1x16xf32>
      tpu.vector_store %arg8[%swap3A_99, %swap3A_100], %swap3A_103 {strides = array<i32>} : memref<64x128xf32, #tpu.memory_space<vmem>>, vector<1x16xf32>,
      %swap3A_104 = arith.index_cast %scan3A_48 : i32 to index
      %swap3A_105 = arith.constant 80 : index
      %swap3A_106 = tpu.vector_load %arg9[%swap3A_104, %swap3A_105] {strides = array<i32>} : memref<64x128xf32, #tpu.memory_space<vmem>>, vector<1x16xf32>,
      %swap3A_107 = vector.shape_cast %swap3A_106 : vector<1x16xf32> to vector<16xf32>
      %swap3A_108 = vector.shape_cast %broadcast_in_dim3A_1 : vector<16xf32> to vector<1x16xf32>
      tpu.vector_store %arg9[%swap3A_104, %swap3A_105], %swap3A_108 {strides = array<i32>} : memref<64x128xf32, #tpu.memory_space<vmem>>, vector<1x16xf32>,
      %swap3A_109 = arith.index_cast %scan3A_48 : i32 to index
      %swap3A_110 = arith.constant 96 : index
      %swap3A_111 = tpu.vector_load %arg8[%swap3A_109, %swap3A_110] {strides = array<i32>} : memref<64x128xf32, #tpu.memory_space<vmem>>, vector<1x16xf32>,
      %swap3A_112 = vector.shape_cast %swap3A_111 : vector<1x16xf32> to vector<16xf32>
      %swap3A_113 = vector.shape_cast %broadcast_in_dim3A_1 : vector<16xf32> to vector<1x16xf32>
      tpu.vector_store %arg8[%swap3A_109, %swap3A_110], %swap3A_113 {strides = array<i32>} : memref<64x128xf32, #tpu.memory_space<vmem>>, vector<1x16xf32>,
      %swap3A_114 = arith.index_cast %scan3A_48 : i32 to index
      %swap3A_115 = arith.constant 96 : index
      %swap3A_116 = tpu.vector_load %arg9[%swap3A_114, %swap3A_115] {strides = array<i32>} : memref<64x128xf32, #tpu.memory_space<vmem>>, vector<1x16xf32>,
      %swap3A_117 = vector.shape_cast %swap3A_116 : vector<1x16xf32> to vector<16xf32>
      %swap3A_118 = vector.shape_cast %broadcast_in_dim3A_1 : vector<16xf32> to vector<1x16xf32>
      tpu.vector_store %arg9[%swap3A_114, %swap3A_115], %swap3A_118 {strides = array<i32>} : memref<64x128xf32, #tpu.memory_space<vmem>>, vector<1x16xf32>,
      %swap3A_119 = arith.index_cast %scan3A_48 : i32 to index
      %swap3A_120 = arith.constant 112 : index
      %swap3A_121 = tpu.vector_load %arg8[%swap3A_119, %swap3A_120] {strides = array<i32>} : memref<64x128xf32, #tpu.memory_space<vmem>>, vector<1x16xf32>,
      %swap3A_122 = vector.shape_cast %swap3A_121 : vector<1x16xf32> to vector<16xf32>
      %swap3A_123 = vector.shape_cast %broadcast_in_dim3A_1 : vector<16xf32> to vector<1x16xf32>
      tpu.vector_store %arg8[%swap3A_119, %swap3A_120], %swap3A_123 {strides = array<i32>} : memref<64x128xf32, #tpu.memory_space<vmem>>, vector<1x16xf32>,
      %swap3A_124 = arith.index_cast %scan3A_48 : i32 to index
      %swap3A_125 = arith.constant 112 : index
      %swap3A_126 = tpu.vector_load %arg9[%swap3A_124, %swap3A_125] {strides = array<i32>} : memref<64x128xf32, #tpu.memory_space<vmem>>, vector<1x16xf32>,
      %swap3A_127 = vector.shape_cast %swap3A_126 : vector<1x16xf32> to vector<16xf32>
      %swap3A_128 = vector.shape_cast %broadcast_in_dim3A_1 : vector<16xf32> to vector<1x16xf32>
      tpu.vector_store %arg9[%swap3A_124, %swap3A_125], %swap3A_128 {strides = array<i32>} : memref<64x128xf32, #tpu.memory_space<vmem>>, vector<1x16xf32>,
      %scan3A_129 = arith.constant 0 : i32
      scf.yield %scan3A_129 : i32
    }
    %scan3A_9 = arith.constant 64 : i32
    %scan3A_10 = arith.constant 0 : i32
    %scan3A_11 = arith.constant 0 : i32
    %scan3A_12 = arith.constant 128 : i32
    %scan3A_13 = arith.addi %scan3A_11, %scan3A_12 : i32
    %scan3A_14 = arith.constant 1 : i32
    %scan3A_15 = scf.for %scan3A_48 = %scan3A_11 to %scan3A_13 step %scan3A_14 iter_args(%scan3A_49 = %scan3A_10) -> (i32)  : i32 {
      %swap3A = arith.index_cast %scan3A_48 : i32 to index
      %swap3A_50 = arith.constant 0 : index
      %swap3A_51 = tpu.vector_load %arg10[%swap3A, %swap3A_50] {strides = array<i32>} : memref<128x128xf32, #tpu.memory_space<vmem>>, vector<1x16xf32>,
      %swap3A_52 = vector.shape_cast %swap3A_51 : vector<1x16xf32> to vector<16xf32>
      %swap3A_53 = vector.shape_cast %broadcast_in_dim3A_3 : vector<16xf32> to vector<1x16xf32>
      tpu.vector_store %arg10[%swap3A, %swap3A_50], %swap3A_53 {strides = array<i32>} : memref<128x128xf32, #tpu.memory_space<vmem>>, vector<1x16xf32>,
      %swap3A_54 = arith.index_cast %scan3A_48 : i32 to index
      %swap3A_55 = arith.constant 16 : index
      %swap3A_56 = tpu.vector_load %arg10[%swap3A_54, %swap3A_55] {strides = array<i32>} : memref<128x128xf32, #tpu.memory_space<vmem>>, vector<1x16xf32>,
      %swap3A_57 = vector.shape_cast %swap3A_56 : vector<1x16xf32> to vector<16xf32>
      %swap3A_58 = vector.shape_cast %broadcast_in_dim3A_3 : vector<16xf32> to vector<1x16xf32>
      tpu.vector_store %arg10[%swap3A_54, %swap3A_55], %swap3A_58 {strides = array<i32>} : memref<128x128xf32, #tpu.memory_space<vmem>>, vector<1x16xf32>,
      %swap3A_59 = arith.index_cast %scan3A_48 : i32 to index
      %swap3A_60 = arith.constant 32 : index
      %swap3A_61 = tpu.vector_load %arg10[%swap3A_59, %swap3A_60] {strides = array<i32>} : memref<128x128xf32, #tpu.memory_space<vmem>>, vector<1x16xf32>,
      %swap3A_62 = vector.shape_cast %swap3A_61 : vector<1x16xf32> to vector<16xf32>
      %swap3A_63 = vector.shape_cast %broadcast_in_dim3A_3 : vector<16xf32> to vector<1x16xf32>
      tpu.vector_store %arg10[%swap3A_59, %swap3A_60], %swap3A_63 {strides = array<i32>} : memref<128x128xf32, #tpu.memory_space<vmem>>, vector<1x16xf32>,
      %swap3A_64 = arith.index_cast %scan3A_48 : i32 to index
      %swap3A_65 = arith.constant 48 : index
      %swap3A_66 = tpu.vector_load %arg10[%swap3A_64, %swap3A_65] {strides = array<i32>} : memref<128x128xf32, #tpu.memory_space<vmem>>, vector<1x16xf32>,
      %swap3A_67 = vector.shape_cast %swap3A_66 : vector<1x16xf32> to vector<16xf32>
      %swap3A_68 = vector.shape_cast %broadcast_in_dim3A_3 : vector<16xf32> to vector<1x16xf32>
      tpu.vector_store %arg10[%swap3A_64, %swap3A_65], %swap3A_68 {strides = array<i32>} : memref<128x128xf32, #tpu.memory_space<vmem>>, vector<1x16xf32>,
      %swap3A_69 = arith.index_cast %scan3A_48 : i32 to index
      %swap3A_70 = arith.constant 64 : index
      %swap3A_71 = tpu.vector_load %arg10[%swap3A_69, %swap3A_70] {strides = array<i32>} : memref<128x128xf32, #tpu.memory_space<vmem>>, vector<1x16xf32>,
      %swap3A_72 = vector.shape_cast %swap3A_71 : vector<1x16xf32> to vector<16xf32>
      %swap3A_73 = vector.shape_cast %broadcast_in_dim3A_3 : vector<16xf32> to vector<1x16xf32>
      tpu.vector_store %arg10[%swap3A_69, %swap3A_70], %swap3A_73 {strides = array<i32>} : memref<128x128xf32, #tpu.memory_space<vmem>>, vector<1x16xf32>,
      %swap3A_74 = arith.index_cast %scan3A_48 : i32 to index
      %swap3A_75 = arith.constant 80 : index
      %swap3A_76 = tpu.vector_load %arg10[%swap3A_74, %swap3A_75] {strides = array<i32>} : memref<128x128xf32, #tpu.memory_space<vmem>>, vector<1x16xf32>,
      %swap3A_77 = vector.shape_cast %swap3A_76 : vector<1x16xf32> to vector<16xf32>
      %swap3A_78 = vector.shape_cast %broadcast_in_dim3A_3 : vector<16xf32> to vector<1x16xf32>
      tpu.vector_store %arg10[%swap3A_74, %swap3A_75], %swap3A_78 {strides = array<i32>} : memref<128x128xf32, #tpu.memory_space<vmem>>, vector<1x16xf32>,
      %swap3A_79 = arith.index_cast %scan3A_48 : i32 to index
      %swap3A_80 = arith.constant 96 : index
      %swap3A_81 = tpu.vector_load %arg10[%swap3A_79, %swap3A_80] {strides = array<i32>} : memref<128x128xf32, #tpu.memory_space<vmem>>, vector<1x16xf32>,
      %swap3A_82 = vector.shape_cast %swap3A_81 : vector<1x16xf32> to vector<16xf32>
      %swap3A_83 = vector.shape_cast %broadcast_in_dim3A_3 : vector<16xf32> to vector<1x16xf32>
      tpu.vector_store %arg10[%swap3A_79, %swap3A_80], %swap3A_83 {strides = array<i32>} : memref<128x128xf32, #tpu.memory_space<vmem>>, vector<1x16xf32>,
      %swap3A_84 = arith.index_cast %scan3A_48 : i32 to index
      %swap3A_85 = arith.constant 112 : index
      %swap3A_86 = tpu.vector_load %arg10[%swap3A_84, %swap3A_85] {strides = array<i32>} : memref<128x128xf32, #tpu.memory_space<vmem>>, vector<1x16xf32>,
      %swap3A_87 = vector.shape_cast %swap3A_86 : vector<1x16xf32> to vector<16xf32>
      %swap3A_88 = vector.shape_cast %broadcast_in_dim3A_3 : vector<16xf32> to vector<1x16xf32>
      tpu.vector_store %arg10[%swap3A_84, %swap3A_85], %swap3A_88 {strides = array<i32>} : memref<128x128xf32, #tpu.memory_space<vmem>>, vector<1x16xf32>,
      %scan3A_89 = arith.constant 0 : i32
      scf.yield %scan3A_89 : i32
    }
    %scan3A_16 = arith.constant 128 : i32
    %mul3A_17 = arith.constant 64 : i32
    %mul3A_18 = arith.muli %arg1, %mul3A_17 : i32
    "tpu.region"() ({
      %run_scoped3A = tpu.sem_alloc : memref<!tpu.dma_semaphore, #tpu.memory_space<semaphore_mem>>
      %dma_start3A_48 = arith.constant 0 : i32
      %dma_start3A_49 = tpu.memref_slice %arg6[%mul3A_18, %dma_start3A_48] : memref<1024x128xf32, #tpu.memory_space<vmem_shared>> -> memref<64x128xf32, #tpu.memory_space<vmem_shared>>
      %dma_start3A_50 = arith.constant 0 : i32
      %dma_start3A_51 = tpu.memref_slice %arg6[%mul3A_18, %dma_start3A_50] : memref<1024x128xf32, #tpu.memory_space<vmem_shared>> -> memref<64x128xf32, #tpu.memory_space<vmem_shared>>
      tpu.enqueue_dma source(%arg8 : memref<64x128xf32, #tpu.memory_space<vmem>>) target(%dma_start3A_51 : memref<64x128xf32, #tpu.memory_space<vmem_shared>>) target_semaphore(%run_scoped3A : memref<!tpu.dma_semaphore, #tpu.memory_space<semaphore_mem>>)
      %dma_wait3A = arith.constant 0 : i32
      %dma_wait3A_52 = tpu.memref_slice %arg6[%mul3A_18, %dma_wait3A] : memref<1024x128xf32, #tpu.memory_space<vmem_shared>> -> memref<64x128xf32, #tpu.memory_space<vmem_shared>>
      %dma_wait3A_53 = arith.constant 0 : i32
      %dma_wait3A_54 = tpu.memref_slice %arg6[%mul3A_18, %dma_wait3A_53] : memref<1024x128xf32, #tpu.memory_space<vmem_shared>> -> memref<64x128xf32, #tpu.memory_space<vmem_shared>>
      tpu.wait_dma2 semaphore(%run_scoped3A : memref<!tpu.dma_semaphore, #tpu.memory_space<semaphore_mem>>) src(%arg8 : memref<64x128xf32, #tpu.memory_space<vmem>>) dst(%dma_wait3A_54 : memref<64x128xf32, #tpu.memory_space<vmem_shared>>)
      tpu.yield
    }) : () -> ()
    %mul3A_19 = arith.constant 64 : i32
    %mul3A_20 = arith.muli %arg1, %mul3A_19 : i32
    "tpu.region"() ({
      %run_scoped3A = tpu.sem_alloc : memref<!tpu.dma_semaphore, #tpu.memory_space<semaphore_mem>>
      %dma_start3A_48 = arith.constant 0 : i32
      %dma_start3A_49 = tpu.memref_slice %arg7[%mul3A_20, %dma_start3A_48] : memref<1024x128xf32, #tpu.memory_space<vmem_shared>> -> memref<64x128xf32, #tpu.memory_space<vmem_shared>>
      %dma_start3A_50 = arith.constant 0 : i32
      %dma_start3A_51 = tpu.memref_slice %arg7[%mul3A_20, %dma_start3A_50] : memref<1024x128xf32, #tpu.memory_space<vmem_shared>> -> memref<64x128xf32, #tpu.memory_space<vmem_shared>>
      tpu.enqueue_dma source(%arg9 : memref<64x128xf32, #tpu.memory_space<vmem>>) target(%dma_start3A_51 : memref<64x128xf32, #tpu.memory_space<vmem_shared>>) target_semaphore(%run_scoped3A : memref<!tpu.dma_semaphore, #tpu.memory_space<semaphore_mem>>)
      %dma_wait3A = arith.constant 0 : i32
      %dma_wait3A_52 = tpu.memref_slice %arg7[%mul3A_20, %dma_wait3A] : memref<1024x128xf32, #tpu.memory_space<vmem_shared>> -> memref<64x128xf32, #tpu.memory_space<vmem_shared>>
      %dma_wait3A_53 = arith.constant 0 : i32
      %dma_wait3A_54 = tpu.memref_slice %arg7[%mul3A_20, %dma_wait3A_53] : memref<1024x128xf32, #tpu.memory_space<vmem_shared>> -> memref<64x128xf32, #tpu.memory_space<vmem_shared>>
      tpu.wait_dma2 semaphore(%run_scoped3A : memref<!tpu.dma_semaphore, #tpu.memory_space<semaphore_mem>>) src(%arg9 : memref<64x128xf32, #tpu.memory_space<vmem>>) dst(%dma_wait3A_54 : memref<64x128xf32, #tpu.memory_space<vmem_shared>>)
      tpu.yield
    }) : () -> ()
    %barrier3A = arith.constant 0 : index
    tpu.barrier barrier_id(%barrier3A)
    %mul3A_21 = arith.constant 128 : i32
    %mul3A_22 = arith.muli %add3A, %mul3A_21 : i32
    %dma_start3A = arith.constant 0 : i32
    %dma_start3A_23 = tpu.memref_slice %arg2[%mul3A_22, %dma_start3A] : memref<100000x128xf32, #tpu.memory_space<hbm>> -> memref<128x128xf32, #tpu.memory_space<hbm>>
    %dma_start3A_24 = arith.constant 0 : i32
    %dma_start3A_25 = tpu.memref_slice %arg2[%mul3A_22, %dma_start3A_24] : memref<100000x128xf32, #tpu.memory_space<hbm>> -> memref<128x128xf32, #tpu.memory_space<hbm>>
    tpu.enqueue_dma source(%dma_start3A_25 : memref<128x128xf32, #tpu.memory_space<hbm>>) target(%arg11 : memref<128x128xf32, #tpu.memory_space<vmem>>) target_semaphore(%arg19 : memref<!tpu.dma_semaphore, #tpu.memory_space<semaphore_mem>>)
    %mul3A_26 = arith.constant 128 : i32
    %mul3A_27 = arith.muli %add3A, %mul3A_26 : i32
    %dma_start3A_28 = tpu.memref_slice %arg3[%mul3A_27] : memref<100000xi32, #tpu.memory_space<hbm>> -> memref<128xi32, #tpu.memory_space<hbm>>
    %dma_start3A_29 = tpu.memref_slice %arg3[%mul3A_27] : memref<100000xi32, #tpu.memory_space<hbm>> -> memref<128xi32, #tpu.memory_space<hbm>>
    tpu.enqueue_dma source(%dma_start3A_29 : memref<128xi32, #tpu.memory_space<hbm>>) target(%arg14 : memref<128xi32, #tpu.memory_space<vmem>>) target_semaphore(%arg19 : memref<!tpu.dma_semaphore, #tpu.memory_space<semaphore_mem>>)
    %scan3A_30 = arith.constant 0 : i32
    %scan3A_31 = arith.constant 0 : i32
    %scan3A_32 = arith.constant 9 : i32
    %scan3A_33 = arith.addi %scan3A_31, %scan3A_32 : i32
    %scan3A_34 = arith.constant 1 : i32
    %scan3A_35 = scf.for %scan3A_48 = %scan3A_31 to %scan3A_33 step %scan3A_34 iter_args(%scan3A_49 = %scan3A_30) -> (i32)  : i32 {
      %mul3A_50 = arith.constant 3 : i32
      %mul3A_51 = arith.muli %scan3A_48, %mul3A_50 : i32
      %add3A_52 = arith.constant 0 : i32
      %add3A_53 = arith.addi %mul3A_51, %add3A_52 : i32
      %mul3A_54 = arith.constant 32 : i32
      %mul3A_55 = arith.muli %add3A_53, %mul3A_54 : i32
      %add3A_56 = arith.addi %mul3A_55, %add3A : i32
      %lt3A = arith.constant 781 : i32
      %lt3A_57 = arith.cmpi slt, %add3A_56, %lt3A : i32
      %convert_element_type3A_58 = arith.extui %lt3A_57 : i1 to i32
      %cond3A_59 = arith.constant 0 : i32
      %cond3A_60 = arith.cmpi ne, %convert_element_type3A_58, %cond3A_59 : i32
      scf.if %cond3A_60 {
        %mul3A_134 = arith.constant 128 : i32
        %mul3A_135 = arith.muli %add3A_56, %mul3A_134 : i32
        %dma_wait3A = arith.constant 0 : i32
        %dma_wait3A_136 = tpu.memref_slice %arg2[%mul3A_135, %dma_wait3A] : memref<100000x128xf32, #tpu.memory_space<hbm>> -> memref<128x128xf32, #tpu.memory_space<hbm>>
        %dma_wait3A_137 = arith.constant 0 : i32
        %dma_wait3A_138 = tpu.memref_slice %arg2[%mul3A_135, %dma_wait3A_137] : memref<100000x128xf32, #tpu.memory_space<hbm>> -> memref<128x128xf32, #tpu.memory_space<hbm>>
        tpu.wait_dma2 semaphore(%arg19 : memref<!tpu.dma_semaphore, #tpu.memory_space<semaphore_mem>>) src(%dma_wait3A_138 : memref<128x128xf32, #tpu.memory_space<hbm>>) dst(%arg11 : memref<128x128xf32, #tpu.memory_space<vmem>>)
        %dma_wait3A_139 = tpu.memref_slice %arg3[%mul3A_135] : memref<100000xi32, #tpu.memory_space<hbm>> -> memref<128xi32, #tpu.memory_space<hbm>>
        %dma_wait3A_140 = tpu.memref_slice %arg3[%mul3A_135] : memref<100000xi32, #tpu.memory_space<hbm>> -> memref<128xi32, #tpu.memory_space<hbm>>
        tpu.wait_dma2 semaphore(%arg19 : memref<!tpu.dma_semaphore, #tpu.memory_space<semaphore_mem>>) src(%dma_wait3A_140 : memref<128xi32, #tpu.memory_space<hbm>>) dst(%arg14 : memref<128xi32, #tpu.memory_space<vmem>>)
        %dma_start3A_141 = arith.constant 0 : i32
        %dma_start3A_142 = arith.constant 0 : i32
        %dma_start3A_143 = tpu.memref_slice %arg6[%dma_start3A_141, %dma_start3A_142] : memref<1024x128xf32, #tpu.memory_space<vmem_shared>> -> memref<1024x128xf32, #tpu.memory_space<vmem_shared>>
        tpu.enqueue_indirect_dma source(%arg11 : memref<128x128xf32, #tpu.memory_space<vmem>>) target(%dma_start3A_143 : memref<1024x128xf32, #tpu.memory_space<vmem_shared>>) offsets(%arg14 : memref<128xi32, #tpu.memory_space<vmem>>) semaphore(%arg22 : memref<!tpu.dma_semaphore, #tpu.memory_space<semaphore_mem>>) {add = true}
        %dma_start3A_144 = arith.constant 0 : i32
        %dma_start3A_145 = arith.constant 0 : i32
        %dma_start3A_146 = tpu.memref_slice %arg7[%dma_start3A_144, %dma_start3A_145] : memref<1024x128xf32, #tpu.memory_space<vmem_shared>> -> memref<1024x128xf32, #tpu.memory_space<vmem_shared>>
        tpu.enqueue_indirect_dma source(%arg10 : memref<128x128xf32, #tpu.memory_space<vmem>>) target(%dma_start3A_146 : memref<1024x128xf32, #tpu.memory_space<vmem_shared>>) offsets(%arg14 : memref<128xi32, #tpu.memory_space<vmem>>) semaphore(%arg22 : memref<!tpu.dma_semaphore, #tpu.memory_space<semaphore_mem>>) {add = true}
      } else {
      }
      %sub3A = arith.constant 64 : i32
      %sub3A_61 = arith.subi %add3A_56, %sub3A : i32
      %ge3A = arith.constant 0 : i32
      %ge3A_62 = arith.cmpi sge, %sub3A_61, %ge3A : i32
      %lt3A_63 = arith.constant 781 : i32
      %lt3A_64 = arith.cmpi slt, %sub3A_61, %lt3A_63 : i32
      %and3A = arith.andi %ge3A_62, %lt3A_64 : i1
      %convert_element_type3A_65 = arith.extui %and3A : i1 to i32
      %cond3A_66 = arith.constant 0 : i32
      %cond3A_67 = arith.cmpi ne, %convert_element_type3A_65, %cond3A_66 : i32
      scf.if %cond3A_67 {
        %dma_wait3A = arith.constant 0 : i32
        %dma_wait3A_134 = arith.constant 0 : i32
        %dma_wait3A_135 = tpu.memref_slice %arg6[%dma_wait3A, %dma_wait3A_134] : memref<1024x128xf32, #tpu.memory_space<vmem_shared>> -> memref<1024x128xf32, #tpu.memory_space<vmem_shared>>
        tpu.wait_indirect_dma semaphore(%arg23 : memref<!tpu.dma_semaphore, #tpu.memory_space<semaphore_mem>>) src(%arg12 : memref<128x128xf32, #tpu.memory_space<vmem>>) dst(%dma_wait3A_135 : memref<1024x128xf32, #tpu.memory_space<vmem_shared>>)
        %dma_wait3A_136 = arith.constant 0 : i32
        %dma_wait3A_137 = arith.constant 0 : i32
        %dma_wait3A_138 = tpu.memref_slice %arg7[%dma_wait3A_136, %dma_wait3A_137] : memref<1024x128xf32, #tpu.memory_space<vmem_shared>> -> memref<1024x128xf32, #tpu.memory_space<vmem_shared>>
        tpu.wait_indirect_dma semaphore(%arg23 : memref<!tpu.dma_semaphore, #tpu.memory_space<semaphore_mem>>) src(%arg10 : memref<128x128xf32, #tpu.memory_space<vmem>>) dst(%dma_wait3A_138 : memref<1024x128xf32, #tpu.memory_space<vmem_shared>>)
      } else {
      }
      %add3A_68 = arith.constant 32 : i32
      %add3A_69 = arith.addi %add3A_56, %add3A_68 : i32
      %lt3A_70 = arith.constant 781 : i32
      %lt3A_71 = arith.cmpi slt, %add3A_69, %lt3A_70 : i32
      %convert_element_type3A_72 = arith.extui %lt3A_71 : i1 to i32
      %cond3A_73 = arith.constant 0 : i32
      %cond3A_74 = arith.cmpi ne, %convert_element_type3A_72, %cond3A_73 : i32
      scf.if %cond3A_74 {
        %mul3A_134 = arith.constant 128 : i32
        %mul3A_135 = arith.muli %add3A_69, %mul3A_134 : i32
        %dma_start3A_136 = arith.constant 0 : i32
        %dma_start3A_137 = tpu.memref_slice %arg2[%mul3A_135, %dma_start3A_136] : memref<100000x128xf32, #tpu.memory_space<hbm>> -> memref<128x128xf32, #tpu.memory_space<hbm>>
        %dma_start3A_138 = arith.constant 0 : i32
        %dma_start3A_139 = tpu.memref_slice %arg2[%mul3A_135, %dma_start3A_138] : memref<100000x128xf32, #tpu.memory_space<hbm>> -> memref<128x128xf32, #tpu.memory_space<hbm>>
        tpu.enqueue_dma source(%dma_start3A_139 : memref<128x128xf32, #tpu.memory_space<hbm>>) target(%arg12 : memref<128x128xf32, #tpu.memory_space<vmem>>) target_semaphore(%arg20 : memref<!tpu.dma_semaphore, #tpu.memory_space<semaphore_mem>>)
        %dma_start3A_140 = tpu.memref_slice %arg3[%mul3A_135] : memref<100000xi32, #tpu.memory_space<hbm>> -> memref<128xi32, #tpu.memory_space<hbm>>
        %dma_start3A_141 = tpu.memref_slice %arg3[%mul3A_135] : memref<100000xi32, #tpu.memory_space<hbm>> -> memref<128xi32, #tpu.memory_space<hbm>>
        tpu.enqueue_dma source(%dma_start3A_141 : memref<128xi32, #tpu.memory_space<hbm>>) target(%arg15 : memref<128xi32, #tpu.memory_space<vmem>>) target_semaphore(%arg20 : memref<!tpu.dma_semaphore, #tpu.memory_space<semaphore_mem>>)
      } else {
      }
      %mul3A_75 = arith.constant 3 : i32
      %mul3A_76 = arith.muli %scan3A_48, %mul3A_75 : i32
      %add3A_77 = arith.constant 1 : i32
      %add3A_78 = arith.addi %mul3A_76, %add3A_77 : i32
      %mul3A_79 = arith.constant 32 : i32
      %mul3A_80 = arith.muli %add3A_78, %mul3A_79 : i32
      %add3A_81 = arith.addi %mul3A_80, %add3A : i32
      %lt3A_82 = arith.constant 781 : i32
      %lt3A_83 = arith.cmpi slt, %add3A_81, %lt3A_82 : i32
      %convert_element_type3A_84 = arith.extui %lt3A_83 : i1 to i32
      %cond3A_85 = arith.constant 0 : i32
      %cond3A_86 = arith.cmpi ne, %convert_element_type3A_84, %cond3A_85 : i32
      scf.if %cond3A_86 {
        %mul3A_134 = arith.constant 128 : i32
        %mul3A_135 = arith.muli %add3A_81, %mul3A_134 : i32
        %dma_wait3A = arith.constant 0 : i32
        %dma_wait3A_136 = tpu.memref_slice %arg2[%mul3A_135, %dma_wait3A] : memref<100000x128xf32, #tpu.memory_space<hbm>> -> memref<128x128xf32, #tpu.memory_space<hbm>>
        %dma_wait3A_137 = arith.constant 0 : i32
        %dma_wait3A_138 = tpu.memref_slice %arg2[%mul3A_135, %dma_wait3A_137] : memref<100000x128xf32, #tpu.memory_space<hbm>> -> memref<128x128xf32, #tpu.memory_space<hbm>>
        tpu.wait_dma2 semaphore(%arg20 : memref<!tpu.dma_semaphore, #tpu.memory_space<semaphore_mem>>) src(%dma_wait3A_138 : memref<128x128xf32, #tpu.memory_space<hbm>>) dst(%arg12 : memref<128x128xf32, #tpu.memory_space<vmem>>)
        %dma_wait3A_139 = tpu.memref_slice %arg3[%mul3A_135] : memref<100000xi32, #tpu.memory_space<hbm>> -> memref<128xi32, #tpu.memory_space<hbm>>
        %dma_wait3A_140 = tpu.memref_slice %arg3[%mul3A_135] : memref<100000xi32, #tpu.memory_space<hbm>> -> memref<128xi32, #tpu.memory_space<hbm>>
        tpu.wait_dma2 semaphore(%arg20 : memref<!tpu.dma_semaphore, #tpu.memory_space<semaphore_mem>>) src(%dma_wait3A_140 : memref<128xi32, #tpu.memory_space<hbm>>) dst(%arg15 : memref<128xi32, #tpu.memory_space<vmem>>)
        %dma_start3A_141 = arith.constant 0 : i32
        %dma_start3A_142 = arith.constant 0 : i32
        %dma_start3A_143 = tpu.memref_slice %arg6[%dma_start3A_141, %dma_start3A_142] : memref<1024x128xf32, #tpu.memory_space<vmem_shared>> -> memref<1024x128xf32, #tpu.memory_space<vmem_shared>>
        tpu.enqueue_indirect_dma source(%arg12 : memref<128x128xf32, #tpu.memory_space<vmem>>) target(%dma_start3A_143 : memref<1024x128xf32, #tpu.memory_space<vmem_shared>>) offsets(%arg15 : memref<128xi32, #tpu.memory_space<vmem>>) semaphore(%arg23 : memref<!tpu.dma_semaphore, #tpu.memory_space<semaphore_mem>>) {add = true}
        %dma_start3A_144 = arith.constant 0 : i32
        %dma_start3A_145 = arith.constant 0 : i32
        %dma_start3A_146 = tpu.memref_slice %arg7[%dma_start3A_144, %dma_start3A_145] : memref<1024x128xf32, #tpu.memory_space<vmem_shared>> -> memref<1024x128xf32, #tpu.memory_space<vmem_shared>>
        tpu.enqueue_indirect_dma source(%arg10 : memref<128x128xf32, #tpu.memory_space<vmem>>) target(%dma_start3A_146 : memref<1024x128xf32, #tpu.memory_space<vmem_shared>>) offsets(%arg15 : memref<128xi32, #tpu.memory_space<vmem>>) semaphore(%arg23 : memref<!tpu.dma_semaphore, #tpu.memory_space<semaphore_mem>>) {add = true}
      } else {
      }
      %sub3A_87 = arith.constant 64 : i32
      %sub3A_88 = arith.subi %add3A_81, %sub3A_87 : i32
      %ge3A_89 = arith.constant 0 : i32
      %ge3A_90 = arith.cmpi sge, %sub3A_88, %ge3A_89 : i32
      %lt3A_91 = arith.constant 781 : i32
      %lt3A_92 = arith.cmpi slt, %sub3A_88, %lt3A_91 : i32
      %and3A_93 = arith.andi %ge3A_90, %lt3A_92 : i1
      %convert_element_type3A_94 = arith.extui %and3A_93 : i1 to i32
      %cond3A_95 = arith.constant 0 : i32
      %cond3A_96 = arith.cmpi ne, %convert_element_type3A_94, %cond3A_95 : i32
      scf.if %cond3A_96 {
        %dma_wait3A = arith.constant 0 : i32
        %dma_wait3A_134 = arith.constant 0 : i32
        %dma_wait3A_135 = tpu.memref_slice %arg6[%dma_wait3A, %dma_wait3A_134] : memref<1024x128xf32, #tpu.memory_space<vmem_shared>> -> memref<1024x128xf32, #tpu.memory_space<vmem_shared>>
        tpu.wait_indirect_dma semaphore(%arg24 : memref<!tpu.dma_semaphore, #tpu.memory_space<semaphore_mem>>) src(%arg13 : memref<128x128xf32, #tpu.memory_space<vmem>>) dst(%dma_wait3A_135 : memref<1024x128xf32, #tpu.memory_space<vmem_shared>>)
        %dma_wait3A_136 = arith.constant 0 : i32
        %dma_wait3A_137 = arith.constant 0 : i32
        %dma_wait3A_138 = tpu.memref_slice %arg7[%dma_wait3A_136, %dma_wait3A_137] : memref<1024x128xf32, #tpu.memory_space<vmem_shared>> -> memref<1024x128xf32, #tpu.memory_space<vmem_shared>>
        tpu.wait_indirect_dma semaphore(%arg24 : memref<!tpu.dma_semaphore, #tpu.memory_space<semaphore_mem>>) src(%arg10 : memref<128x128xf32, #tpu.memory_space<vmem>>) dst(%dma_wait3A_138 : memref<1024x128xf32, #tpu.memory_space<vmem_shared>>)
      } else {
      }
      %add3A_97 = arith.constant 32 : i32
      %add3A_98 = arith.addi %add3A_81, %add3A_97 : i32
      %lt3A_99 = arith.constant 781 : i32
      %lt3A_100 = arith.cmpi slt, %add3A_98, %lt3A_99 : i32
      %convert_element_type3A_101 = arith.extui %lt3A_100 : i1 to i32
      %cond3A_102 = arith.constant 0 : i32
      %cond3A_103 = arith.cmpi ne, %convert_element_type3A_101, %cond3A_102 : i32
      scf.if %cond3A_103 {
        %mul3A_134 = arith.constant 128 : i32
        %mul3A_135 = arith.muli %add3A_98, %mul3A_134 : i32
        %dma_start3A_136 = arith.constant 0 : i32
        %dma_start3A_137 = tpu.memref_slice %arg2[%mul3A_135, %dma_start3A_136] : memref<100000x128xf32, #tpu.memory_space<hbm>> -> memref<128x128xf32, #tpu.memory_space<hbm>>
        %dma_start3A_138 = arith.constant 0 : i32
        %dma_start3A_139 = tpu.memref_slice %arg2[%mul3A_135, %dma_start3A_138] : memref<100000x128xf32, #tpu.memory_space<hbm>> -> memref<128x128xf32, #tpu.memory_space<hbm>>
        tpu.enqueue_dma source(%dma_start3A_139 : memref<128x128xf32, #tpu.memory_space<hbm>>) target(%arg13 : memref<128x128xf32, #tpu.memory_space<vmem>>) target_semaphore(%arg21 : memref<!tpu.dma_semaphore, #tpu.memory_space<semaphore_mem>>)
        %dma_start3A_140 = tpu.memref_slice %arg3[%mul3A_135] : memref<100000xi32, #tpu.memory_space<hbm>> -> memref<128xi32, #tpu.memory_space<hbm>>
        %dma_start3A_141 = tpu.memref_slice %arg3[%mul3A_135] : memref<100000xi32, #tpu.memory_space<hbm>> -> memref<128xi32, #tpu.memory_space<hbm>>
        tpu.enqueue_dma source(%dma_start3A_141 : memref<128xi32, #tpu.memory_space<hbm>>) target(%arg16 : memref<128xi32, #tpu.memory_space<vmem>>) target_semaphore(%arg21 : memref<!tpu.dma_semaphore, #tpu.memory_space<semaphore_mem>>)
      } else {
      }
      %mul3A_104 = arith.constant 3 : i32
      %mul3A_105 = arith.muli %scan3A_48, %mul3A_104 : i32
      %add3A_106 = arith.constant 2 : i32
      %add3A_107 = arith.addi %mul3A_105, %add3A_106 : i32
      %mul3A_108 = arith.constant 32 : i32
      %mul3A_109 = arith.muli %add3A_107, %mul3A_108 : i32
      %add3A_110 = arith.addi %mul3A_109, %add3A : i32
      %lt3A_111 = arith.constant 781 : i32
      %lt3A_112 = arith.cmpi slt, %add3A_110, %lt3A_111 : i32
      %convert_element_type3A_113 = arith.extui %lt3A_112 : i1 to i32
      %cond3A_114 = arith.constant 0 : i32
      %cond3A_115 = arith.cmpi ne, %convert_element_type3A_113, %cond3A_114 : i32
      scf.if %cond3A_115 {
        %mul3A_134 = arith.constant 128 : i32
        %mul3A_135 = arith.muli %add3A_110, %mul3A_134 : i32
        %dma_wait3A = arith.constant 0 : i32
        %dma_wait3A_136 = tpu.memref_slice %arg2[%mul3A_135, %dma_wait3A] : memref<100000x128xf32, #tpu.memory_space<hbm>> -> memref<128x128xf32, #tpu.memory_space<hbm>>
        %dma_wait3A_137 = arith.constant 0 : i32
        %dma_wait3A_138 = tpu.memref_slice %arg2[%mul3A_135, %dma_wait3A_137] : memref<100000x128xf32, #tpu.memory_space<hbm>> -> memref<128x128xf32, #tpu.memory_space<hbm>>
        tpu.wait_dma2 semaphore(%arg21 : memref<!tpu.dma_semaphore, #tpu.memory_space<semaphore_mem>>) src(%dma_wait3A_138 : memref<128x128xf32, #tpu.memory_space<hbm>>) dst(%arg13 : memref<128x128xf32, #tpu.memory_space<vmem>>)
        %dma_wait3A_139 = tpu.memref_slice %arg3[%mul3A_135] : memref<100000xi32, #tpu.memory_space<hbm>> -> memref<128xi32, #tpu.memory_space<hbm>>
        %dma_wait3A_140 = tpu.memref_slice %arg3[%mul3A_135] : memref<100000xi32, #tpu.memory_space<hbm>> -> memref<128xi32, #tpu.memory_space<hbm>>
        tpu.wait_dma2 semaphore(%arg21 : memref<!tpu.dma_semaphore, #tpu.memory_space<semaphore_mem>>) src(%dma_wait3A_140 : memref<128xi32, #tpu.memory_space<hbm>>) dst(%arg16 : memref<128xi32, #tpu.memory_space<vmem>>)
        %dma_start3A_141 = arith.constant 0 : i32
        %dma_start3A_142 = arith.constant 0 : i32
        %dma_start3A_143 = tpu.memref_slice %arg6[%dma_start3A_141, %dma_start3A_142] : memref<1024x128xf32, #tpu.memory_space<vmem_shared>> -> memref<1024x128xf32, #tpu.memory_space<vmem_shared>>
        tpu.enqueue_indirect_dma source(%arg13 : memref<128x128xf32, #tpu.memory_space<vmem>>) target(%dma_start3A_143 : memref<1024x128xf32, #tpu.memory_space<vmem_shared>>) offsets(%arg16 : memref<128xi32, #tpu.memory_space<vmem>>) semaphore(%arg24 : memref<!tpu.dma_semaphore, #tpu.memory_space<semaphore_mem>>) {add = true}
        %dma_start3A_144 = arith.constant 0 : i32
        %dma_start3A_145 = arith.constant 0 : i32
        %dma_start3A_146 = tpu.memref_slice %arg7[%dma_start3A_144, %dma_start3A_145] : memref<1024x128xf32, #tpu.memory_space<vmem_shared>> -> memref<1024x128xf32, #tpu.memory_space<vmem_shared>>
        tpu.enqueue_indirect_dma source(%arg10 : memref<128x128xf32, #tpu.memory_space<vmem>>) target(%dma_start3A_146 : memref<1024x128xf32, #tpu.memory_space<vmem_shared>>) offsets(%arg16 : memref<128xi32, #tpu.memory_space<vmem>>) semaphore(%arg24 : memref<!tpu.dma_semaphore, #tpu.memory_space<semaphore_mem>>) {add = true}
      } else {
      }
      %sub3A_116 = arith.constant 64 : i32
      %sub3A_117 = arith.subi %add3A_110, %sub3A_116 : i32
      %ge3A_118 = arith.constant 0 : i32
      %ge3A_119 = arith.cmpi sge, %sub3A_117, %ge3A_118 : i32
      %lt3A_120 = arith.constant 781 : i32
      %lt3A_121 = arith.cmpi slt, %sub3A_117, %lt3A_120 : i32
      %and3A_122 = arith.andi %ge3A_119, %lt3A_121 : i1
      %convert_element_type3A_123 = arith.extui %and3A_122 : i1 to i32
      %cond3A_124 = arith.constant 0 : i32
      %cond3A_125 = arith.cmpi ne, %convert_element_type3A_123, %cond3A_124 : i32
      scf.if %cond3A_125 {
        %dma_wait3A = arith.constant 0 : i32
        %dma_wait3A_134 = arith.constant 0 : i32
        %dma_wait3A_135 = tpu.memref_slice %arg6[%dma_wait3A, %dma_wait3A_134] : memref<1024x128xf32, #tpu.memory_space<vmem_shared>> -> memref<1024x128xf32, #tpu.memory_space<vmem_shared>>
        tpu.wait_indirect_dma semaphore(%arg22 : memref<!tpu.dma_semaphore, #tpu.memory_space<semaphore_mem>>) src(%arg11 : memref<128x128xf32, #tpu.memory_space<vmem>>) dst(%dma_wait3A_135 : memref<1024x128xf32, #tpu.memory_space<vmem_shared>>)
        %dma_wait3A_136 = arith.constant 0 : i32
        %dma_wait3A_137 = arith.constant 0 : i32
        %dma_wait3A_138 = tpu.memref_slice %arg7[%dma_wait3A_136, %dma_wait3A_137] : memref<1024x128xf32, #tpu.memory_space<vmem_shared>> -> memref<1024x128xf32, #tpu.memory_space<vmem_shared>>
        tpu.wait_indirect_dma semaphore(%arg22 : memref<!tpu.dma_semaphore, #tpu.memory_space<semaphore_mem>>) src(%arg10 : memref<128x128xf32, #tpu.memory_space<vmem>>) dst(%dma_wait3A_138 : memref<1024x128xf32, #tpu.memory_space<vmem_shared>>)
      } else {
      }
      %add3A_126 = arith.constant 32 : i32
      %add3A_127 = arith.addi %add3A_110, %add3A_126 : i32
      %lt3A_128 = arith.constant 781 : i32
      %lt3A_129 = arith.cmpi slt, %add3A_127, %lt3A_128 : i32
      %convert_element_type3A_130 = arith.extui %lt3A_129 : i1 to i32
      %cond3A_131 = arith.constant 0 : i32
      %cond3A_132 = arith.cmpi ne, %convert_element_type3A_130, %cond3A_131 : i32
      scf.if %cond3A_132 {
        %mul3A_134 = arith.constant 128 : i32
        %mul3A_135 = arith.muli %add3A_127, %mul3A_134 : i32
        %dma_start3A_136 = arith.constant 0 : i32
        %dma_start3A_137 = tpu.memref_slice %arg2[%mul3A_135, %dma_start3A_136] : memref<100000x128xf32, #tpu.memory_space<hbm>> -> memref<128x128xf32, #tpu.memory_space<hbm>>
        %dma_start3A_138 = arith.constant 0 : i32
        %dma_start3A_139 = tpu.memref_slice %arg2[%mul3A_135, %dma_start3A_138] : memref<100000x128xf32, #tpu.memory_space<hbm>> -> memref<128x128xf32, #tpu.memory_space<hbm>>
        tpu.enqueue_dma source(%dma_start3A_139 : memref<128x128xf32, #tpu.memory_space<hbm>>) target(%arg11 : memref<128x128xf32, #tpu.memory_space<vmem>>) target_semaphore(%arg19 : memref<!tpu.dma_semaphore, #tpu.memory_space<semaphore_mem>>)
        %dma_start3A_140 = tpu.memref_slice %arg3[%mul3A_135] : memref<100000xi32, #tpu.memory_space<hbm>> -> memref<128xi32, #tpu.memory_space<hbm>>
        %dma_start3A_141 = tpu.memref_slice %arg3[%mul3A_135] : memref<100000xi32, #tpu.memory_space<hbm>> -> memref<128xi32, #tpu.memory_space<hbm>>
        tpu.enqueue_dma source(%dma_start3A_141 : memref<128xi32, #tpu.memory_space<hbm>>) target(%arg14 : memref<128xi32, #tpu.memory_space<vmem>>) target_semaphore(%arg19 : memref<!tpu.dma_semaphore, #tpu.memory_space<semaphore_mem>>)
      } else {
      }
      %scan3A_133 = arith.constant 0 : i32
      scf.yield %scan3A_133 : i32
    }
    %scan3A_36 = arith.constant 9 : i32
    %eq3A = arith.constant 31 : i32
    %eq3A_37 = arith.cmpi eq, %add3A, %eq3A : i32
    %convert_element_type3A = arith.extui %eq3A_37 : i1 to i32
    %cond3A = arith.constant 0 : i32
    %cond3A_38 = arith.cmpi ne, %convert_element_type3A, %cond3A : i32
    scf.if %cond3A_38 {
      "tpu.region"() ({
        %run_scoped3A = tpu.sem_alloc : memref<!tpu.dma_semaphore, #tpu.memory_space<semaphore_mem>>
        %dma_start3A_48 = arith.constant 99968 : i32
        %dma_start3A_49 = arith.constant 0 : i32
        %dma_start3A_50 = tpu.memref_slice %arg2[%dma_start3A_48, %dma_start3A_49] : memref<100000x128xf32, #tpu.memory_space<hbm>> -> memref<32x128xf32, #tpu.memory_space<hbm>>
        %dma_start3A_51 = arith.constant 99968 : i32
        %dma_start3A_52 = arith.constant 0 : i32
        %dma_start3A_53 = tpu.memref_slice %arg2[%dma_start3A_51, %dma_start3A_52] : memref<100000x128xf32, #tpu.memory_space<hbm>> -> memref<32x128xf32, #tpu.memory_space<hbm>>
        tpu.enqueue_dma source(%dma_start3A_53 : memref<32x128xf32, #tpu.memory_space<hbm>>) target(%arg17 : memref<32x128xf32, #tpu.memory_space<vmem>>) target_semaphore(%run_scoped3A : memref<!tpu.dma_semaphore, #tpu.memory_space<semaphore_mem>>)
        %dma_wait3A = arith.constant 99968 : i32
        %dma_wait3A_54 = arith.constant 0 : i32
        %dma_wait3A_55 = tpu.memref_slice %arg2[%dma_wait3A, %dma_wait3A_54] : memref<100000x128xf32, #tpu.memory_space<hbm>> -> memref<32x128xf32, #tpu.memory_space<hbm>>
        %dma_wait3A_56 = arith.constant 99968 : i32
        %dma_wait3A_57 = arith.constant 0 : i32
        %dma_wait3A_58 = tpu.memref_slice %arg2[%dma_wait3A_56, %dma_wait3A_57] : memref<100000x128xf32, #tpu.memory_space<hbm>> -> memref<32x128xf32, #tpu.memory_space<hbm>>
        tpu.wait_dma2 semaphore(%run_scoped3A : memref<!tpu.dma_semaphore, #tpu.memory_space<semaphore_mem>>) src(%dma_wait3A_58 : memref<32x128xf32, #tpu.memory_space<hbm>>) dst(%arg17 : memref<32x128xf32, #tpu.memory_space<vmem>>)
        tpu.yield
      }) : () -> ()
      "tpu.region"() ({
        %run_scoped3A = tpu.sem_alloc : memref<!tpu.dma_semaphore, #tpu.memory_space<semaphore_mem>>
        %dma_start3A_48 = arith.constant 99968 : i32
        %dma_start3A_49 = tpu.memref_slice %arg3[%dma_start3A_48] : memref<100000xi32, #tpu.memory_space<hbm>> -> memref<32xi32, #tpu.memory_space<hbm>>
        %dma_start3A_50 = arith.constant 99968 : i32
        %dma_start3A_51 = tpu.memref_slice %arg3[%dma_start3A_50] : memref<100000xi32, #tpu.memory_space<hbm>> -> memref<32xi32, #tpu.memory_space<hbm>>
        tpu.enqueue_dma source(%dma_start3A_51 : memref<32xi32, #tpu.memory_space<hbm>>) target(%arg18 : memref<32xi32, #tpu.memory_space<vmem>>) target_semaphore(%run_scoped3A : memref<!tpu.dma_semaphore, #tpu.memory_space<semaphore_mem>>)
        %dma_wait3A = arith.constant 99968 : i32
        %dma_wait3A_52 = tpu.memref_slice %arg3[%dma_wait3A] : memref<100000xi32, #tpu.memory_space<hbm>> -> memref<32xi32, #tpu.memory_space<hbm>>
        %dma_wait3A_53 = arith.constant 99968 : i32
        %dma_wait3A_54 = tpu.memref_slice %arg3[%dma_wait3A_53] : memref<100000xi32, #tpu.memory_space<hbm>> -> memref<32xi32, #tpu.memory_space<hbm>>
        tpu.wait_dma2 semaphore(%run_scoped3A : memref<!tpu.dma_semaphore, #tpu.memory_space<semaphore_mem>>) src(%dma_wait3A_54 : memref<32xi32, #tpu.memory_space<hbm>>) dst(%arg18 : memref<32xi32, #tpu.memory_space<vmem>>)
        tpu.yield
      }) : () -> ()
      "tpu.region"() ({
        %run_scoped3A = tpu.sem_alloc : memref<!tpu.dma_semaphore, #tpu.memory_space<semaphore_mem>>
        %dma_start3A_48 = arith.constant 0 : i32
        %dma_start3A_49 = arith.constant 0 : i32
        %dma_start3A_50 = tpu.memref_slice %arg6[%dma_start3A_48, %dma_start3A_49] : memref<1024x128xf32, #tpu.memory_space<vmem_shared>> -> memref<1024x128xf32, #tpu.memory_space<vmem_shared>>
        tpu.enqueue_indirect_dma source(%arg17 : memref<32x128xf32, #tpu.memory_space<vmem>>) target(%dma_start3A_50 : memref<1024x128xf32, #tpu.memory_space<vmem_shared>>) offsets(%arg18 : memref<32xi32, #tpu.memory_space<vmem>>) semaphore(%run_scoped3A : memref<!tpu.dma_semaphore, #tpu.memory_space<semaphore_mem>>) {add = true}
        %dma_wait3A = arith.constant 0 : i32
        %dma_wait3A_51 = arith.constant 0 : i32
        %dma_wait3A_52 = tpu.memref_slice %arg6[%dma_wait3A, %dma_wait3A_51] : memref<1024x128xf32, #tpu.memory_space<vmem_shared>> -> memref<1024x128xf32, #tpu.memory_space<vmem_shared>>
        tpu.wait_indirect_dma semaphore(%run_scoped3A : memref<!tpu.dma_semaphore, #tpu.memory_space<semaphore_mem>>) src(%arg17 : memref<32x128xf32, #tpu.memory_space<vmem>>) dst(%dma_wait3A_52 : memref<1024x128xf32, #tpu.memory_space<vmem_shared>>)
        tpu.yield
      }) : () -> ()
      "tpu.region"() ({
        %run_scoped3A = tpu.sem_alloc : memref<!tpu.dma_semaphore, #tpu.memory_space<semaphore_mem>>
        %dma_start3A_48 = arith.constant 0 : i32
        %dma_start3A_49 = arith.constant 0 : i32
        %dma_start3A_50 = tpu.memref_slice %arg10[%dma_start3A_48, %dma_start3A_49] : memref<128x128xf32, #tpu.memory_space<vmem>> -> memref<32x128xf32, #tpu.memory_space<vmem>>
        %dma_start3A_51 = arith.constant 0 : i32
        %dma_start3A_52 = arith.constant 0 : i32
        %dma_start3A_53 = tpu.memref_slice %arg7[%dma_start3A_51, %dma_start3A_52] : memref<1024x128xf32, #tpu.memory_space<vmem_shared>> -> memref<1024x128xf32, #tpu.memory_space<vmem_shared>>
        tpu.enqueue_indirect_dma source(%dma_start3A_50 : memref<32x128xf32, #tpu.memory_space<vmem>>) target(%dma_start3A_53 : memref<1024x128xf32, #tpu.memory_space<vmem_shared>>) offsets(%arg18 : memref<32xi32, #tpu.memory_space<vmem>>) semaphore(%run_scoped3A : memref<!tpu.dma_semaphore, #tpu.memory_space<semaphore_mem>>) {add = true}
        %dma_wait3A = arith.constant 0 : i32
        %dma_wait3A_54 = arith.constant 0 : i32
        %dma_wait3A_55 = tpu.memref_slice %arg10[%dma_wait3A, %dma_wait3A_54] : memref<128x128xf32, #tpu.memory_space<vmem>> -> memref<32x128xf32, #tpu.memory_space<vmem>>
        %dma_wait3A_56 = arith.constant 0 : i32
        %dma_wait3A_57 = arith.constant 0 : i32
        %dma_wait3A_58 = tpu.memref_slice %arg7[%dma_wait3A_56, %dma_wait3A_57] : memref<1024x128xf32, #tpu.memory_space<vmem_shared>> -> memref<1024x128xf32, #tpu.memory_space<vmem_shared>>
        tpu.wait_indirect_dma semaphore(%run_scoped3A : memref<!tpu.dma_semaphore, #tpu.memory_space<semaphore_mem>>) src(%dma_wait3A_55 : memref<32x128xf32, #tpu.memory_space<vmem>>) dst(%dma_wait3A_58 : memref<1024x128xf32, #tpu.memory_space<vmem_shared>>)
        tpu.yield
      }) : () -> ()
    } else {
    }
    %barrier3A_39 = arith.constant 0 : index
    tpu.barrier barrier_id(%barrier3A_39)
    %mul3A_40 = arith.constant 64 : i32
    %mul3A_41 = arith.muli %arg1, %mul3A_40 : i32
    "tpu.region"() ({
      %run_scoped3A = tpu.sem_alloc : memref<!tpu.dma_semaphore, #tpu.memory_space<semaphore_mem>>
      %dma_start3A_48 = arith.constant 0 : i32
      %dma_start3A_49 = tpu.memref_slice %arg6[%mul3A_41, %dma_start3A_48] : memref<1024x128xf32, #tpu.memory_space<vmem_shared>> -> memref<64x128xf32, #tpu.memory_space<vmem_shared>>
      %dma_start3A_50 = arith.constant 0 : i32
      %dma_start3A_51 = tpu.memref_slice %arg6[%mul3A_41, %dma_start3A_50] : memref<1024x128xf32, #tpu.memory_space<vmem_shared>> -> memref<64x128xf32, #tpu.memory_space<vmem_shared>>
      tpu.enqueue_dma source(%dma_start3A_51 : memref<64x128xf32, #tpu.memory_space<vmem_shared>>) target(%arg8 : memref<64x128xf32, #tpu.memory_space<vmem>>) target_semaphore(%run_scoped3A : memref<!tpu.dma_semaphore, #tpu.memory_space<semaphore_mem>>)
      %dma_wait3A = arith.constant 0 : i32
      %dma_wait3A_52 = tpu.memref_slice %arg6[%mul3A_41, %dma_wait3A] : memref<1024x128xf32, #tpu.memory_space<vmem_shared>> -> memref<64x128xf32, #tpu.memory_space<vmem_shared>>
      %dma_wait3A_53 = arith.constant 0 : i32
      %dma_wait3A_54 = tpu.memref_slice %arg6[%mul3A_41, %dma_wait3A_53] : memref<1024x128xf32, #tpu.memory_space<vmem_shared>> -> memref<64x128xf32, #tpu.memory_space<vmem_shared>>
      tpu.wait_dma2 semaphore(%run_scoped3A : memref<!tpu.dma_semaphore, #tpu.memory_space<semaphore_mem>>) src(%dma_wait3A_54 : memref<64x128xf32, #tpu.memory_space<vmem_shared>>) dst(%arg8 : memref<64x128xf32, #tpu.memory_space<vmem>>)
      tpu.yield
    }) : () -> ()
    %mul3A_42 = arith.constant 1024 : i32
    %mul3A_43 = arith.muli %arg0, %mul3A_42 : i32
    %add3A_44 = arith.addi %mul3A_43, %mul3A_41 : i32
    "tpu.region"() ({
      %run_scoped3A = tpu.sem_alloc : memref<!tpu.dma_semaphore, #tpu.memory_space<semaphore_mem>>
      %dma_start3A_48 = arith.constant 0 : i32
      %dma_start3A_49 = tpu.memref_slice %arg4[%add3A_44, %dma_start3A_48] : memref<2048x128xf32, #tpu.memory_space<hbm>> -> memref<64x128xf32, #tpu.memory_space<hbm>>
      %dma_start3A_50 = arith.constant 0 : i32
      %dma_start3A_51 = tpu.memref_slice %arg4[%add3A_44, %dma_start3A_50] : memref<2048x128xf32, #tpu.memory_space<hbm>> -> memref<64x128xf32, #tpu.memory_space<hbm>>
      tpu.enqueue_dma source(%arg8 : memref<64x128xf32, #tpu.memory_space<vmem>>) target(%dma_start3A_51 : memref<64x128xf32, #tpu.memory_space<hbm>>) target_semaphore(%run_scoped3A : memref<!tpu.dma_semaphore, #tpu.memory_space<semaphore_mem>>)
      %dma_wait3A = arith.constant 0 : i32
      %dma_wait3A_52 = tpu.memref_slice %arg4[%add3A_44, %dma_wait3A] : memref<2048x128xf32, #tpu.memory_space<hbm>> -> memref<64x128xf32, #tpu.memory_space<hbm>>
      %dma_wait3A_53 = arith.constant 0 : i32
      %dma_wait3A_54 = tpu.memref_slice %arg4[%add3A_44, %dma_wait3A_53] : memref<2048x128xf32, #tpu.memory_space<hbm>> -> memref<64x128xf32, #tpu.memory_space<hbm>>
      tpu.wait_dma2 semaphore(%run_scoped3A : memref<!tpu.dma_semaphore, #tpu.memory_space<semaphore_mem>>) src(%arg8 : memref<64x128xf32, #tpu.memory_space<vmem>>) dst(%dma_wait3A_54 : memref<64x128xf32, #tpu.memory_space<hbm>>)
      tpu.yield
    }) : () -> ()
    "tpu.region"() ({
      %run_scoped3A = tpu.sem_alloc : memref<!tpu.dma_semaphore, #tpu.memory_space<semaphore_mem>>
      %dma_start3A_48 = arith.constant 0 : i32
      %dma_start3A_49 = tpu.memref_slice %arg7[%mul3A_41, %dma_start3A_48] : memref<1024x128xf32, #tpu.memory_space<vmem_shared>> -> memref<64x128xf32, #tpu.memory_space<vmem_shared>>
      %dma_start3A_50 = arith.constant 0 : i32
      %dma_start3A_51 = tpu.memref_slice %arg7[%mul3A_41, %dma_start3A_50] : memref<1024x128xf32, #tpu.memory_space<vmem_shared>> -> memref<64x128xf32, #tpu.memory_space<vmem_shared>>
      tpu.enqueue_dma source(%dma_start3A_51 : memref<64x128xf32, #tpu.memory_space<vmem_shared>>) target(%arg9 : memref<64x128xf32, #tpu.memory_space<vmem>>) target_semaphore(%run_scoped3A : memref<!tpu.dma_semaphore, #tpu.memory_space<semaphore_mem>>)
      %dma_wait3A = arith.constant 0 : i32
      %dma_wait3A_52 = tpu.memref_slice %arg7[%mul3A_41, %dma_wait3A] : memref<1024x128xf32, #tpu.memory_space<vmem_shared>> -> memref<64x128xf32, #tpu.memory_space<vmem_shared>>
      %dma_wait3A_53 = arith.constant 0 : i32
      %dma_wait3A_54 = tpu.memref_slice %arg7[%mul3A_41, %dma_wait3A_53] : memref<1024x128xf32, #tpu.memory_space<vmem_shared>> -> memref<64x128xf32, #tpu.memory_space<vmem_shared>>
      tpu.wait_dma2 semaphore(%run_scoped3A : memref<!tpu.dma_semaphore, #tpu.memory_space<semaphore_mem>>) src(%dma_wait3A_54 : memref<64x128xf32, #tpu.memory_space<vmem_shared>>) dst(%arg9 : memref<64x128xf32, #tpu.memory_space<vmem>>)
      tpu.yield
    }) : () -> ()
    %mul3A_45 = arith.constant 1024 : i32
    %mul3A_46 = arith.muli %arg0, %mul3A_45 : i32
    %add3A_47 = arith.addi %mul3A_46, %mul3A_41 : i32
    "tpu.region"() ({
      %run_scoped3A = tpu.sem_alloc : memref<!tpu.dma_semaphore, #tpu.memory_space<semaphore_mem>>
      %dma_start3A_48 = arith.constant 0 : i32
      %dma_start3A_49 = tpu.memref_slice %arg5[%add3A_47, %dma_start3A_48] : memref<2048x128xf32, #tpu.memory_space<hbm>> -> memref<64x128xf32, #tpu.memory_space<hbm>>
      %dma_start3A_50 = arith.constant 0 : i32
      %dma_start3A_51 = tpu.memref_slice %arg5[%add3A_47, %dma_start3A_50] : memref<2048x128xf32, #tpu.memory_space<hbm>> -> memref<64x128xf32, #tpu.memory_space<hbm>>
      tpu.enqueue_dma source(%arg9 : memref<64x128xf32, #tpu.memory_space<vmem>>) target(%dma_start3A_51 : memref<64x128xf32, #tpu.memory_space<hbm>>) target_semaphore(%run_scoped3A : memref<!tpu.dma_semaphore, #tpu.memory_space<semaphore_mem>>)
      %dma_wait3A = arith.constant 0 : i32
      %dma_wait3A_52 = tpu.memref_slice %arg5[%add3A_47, %dma_wait3A] : memref<2048x128xf32, #tpu.memory_space<hbm>> -> memref<64x128xf32, #tpu.memory_space<hbm>>
      %dma_wait3A_53 = arith.constant 0 : i32
      %dma_wait3A_54 = tpu.memref_slice %arg5[%add3A_47, %dma_wait3A_53] : memref<2048x128xf32, #tpu.memory_space<hbm>> -> memref<64x128xf32, #tpu.memory_space<hbm>>
      tpu.wait_dma2 semaphore(%run_scoped3A : memref<!tpu.dma_semaphore, #tpu.memory_space<semaphore_mem>>) src(%arg9 : memref<64x128xf32, #tpu.memory_space<vmem>>) dst(%dma_wait3A_54 : memref<64x128xf32, #tpu.memory_space<hbm>>)
      tpu.yield
    }) : () -> ()
    return
  }
}

</mosaic_0001>

<sc_bundles>
// kernel: kernel.4.cloned.1.call-start
scs
__scs_entry_jumppad:
0x0: {  	(pc) =	sbr.rel $0x88, $3  }
0x1: {  	(tag) =	ssettag $0x0;
	lr =	simm.s32 $0x1  }
0x2: {  	[smem:$0x3F9F] =	sst lr;
	_ =	strace $0xD0000000  }
0x3: {  	_ = 	snop  }
0x4: {  	_ = 	snop  }
0x5: {  	_ = 	snop  }
0x6: {  	_ = 	snop  }
0x7: {  	_ = 	snop  }
__scs_overlays_trampoline_lowered:
0x8: {  	[smem:$0x3FAE] =	sst s0  }
0x9: {  	[smem:$0x3FAF] =	sst s1  }
0xa: {  	[smem:$0x3FB0] =	sst s2  }
0xb: {  	[smem:$0x3FB1] =	sst s3  }
0xc: {  	[smem:$0x3FB2] =	sst s4  }
0xd: {  	[smem:$0x3FB3] =	sst s5  }
0xe: {  	[smem:$0x3FB4] =	sst s6  }
0xf: {  	[smem:$0x3FB5] =	sst s7  }
0x10: {  	[smem:$0x3FB6] =	sst s8  }
0x11: {  	[smem:$0x3FB7] =	sst s9;
	s0 =	simm.s32 @!p0 $0x0  }
0x12: {  	s1 =	sld [smem:$0x3F9D];
	s0 =	simm.s32 @p0 $0x1  }
0x13: {  	[smem:$0x3FB8] =	sst s0;
	s0 =	simm.s32 @!p1 $0x0  }
0x14: {  	s2 =	sld [smem:$0x3F9C];
	s0 =	simm.s32 @p1 $0x1  }
0x15: {  	[smem:$0x3FB9] =	sst s0;
	s0 =	simm.s32 @!p2 $0x0  }
0x16: {  	s3 =	sld [smem:$0x3FDB];
	s0 =	simm.s32 @p2 $0x1  }
0x17: {  	s4 =	simm.s32 $0x1BF5;
	[smem:$0x3FBB] =	sst s0  }
0x18: {  	s0 =	sld [smem:$0x3F9E];
	_ =	swait.ge [sflag:s4], $0x0  }
0x19: {  	s7 =	sld [smem:$0x3F9F]  }
0x1a: {  	s8 =	sadd.s32 $0xFFFFE003, lr  }
0x1b: {  	s9 =	sadd.s32 $0xFFFFFEF7, lr;
	s5 =	simm.s32 $0xFFFFFFFF;
	p2 =	slt.u32 s8, $0xFFFFF086  }
0x1c: {  	p1 =	slt.u32 s9, $0xF7A;
	s5 =	simm.s32 @!p2 $0x0  }
0x1d: {  	s5 =	simm.s32 @p1 $0x1;
	p0 =	seq.s32 s7, s2  }
0x1e: {  	s7 =	smul.u32 @!p0 $0xF7A, s2;
	p2 =	seq.s32 @!p0 s5, $0x0  }
0x1f: {  	s9 =	smul.u32 $0xF7A, s1;
	s8 =	simm.s32 @!p0 $0x1BF5;
	p2 =	por !p2, p0  }
0x20: {  	[sflag:s8] =	ssyncset.s32 @!p0 $0xFFFFF086;
	s6 =	sadd.s32 @!p0 s3, s7;
	s7 =	simm.s32 @!p0 $0x108  }
0x21: {  	s3 =	sadd.s32 s3, s9;
	s6 =	sadd.s32 @!p0 $0x88, s6;
	s7 =	simm.s32 @p2 $0x1082  }
0x22: {  	[simem:s7], [sflag:s8] =	dma.local @!p0 [hbm:s6], $0xF7A  }
0x23: {  	s9 =	sor.u32 $0xD0000000, s2;
	s6 =	simm.s32 $0x108;
	_ =	swait.ge @!p0 [sflag:s8], $0x0  }
0x24: {  	s3 =	sadd.s32 $0x88, s3;
	s6 =	simm.s32 @!p1 $0x1082;
	[sflag:s4] =	ssyncset.s32 $0xFFFFF086  }
0x25: {  	[simem:s6], [sflag:s4] =	dma.local [hbm:s3], $0xF7A  }
0x26: {  	[smem:$0x3F9F] =	sst s1;
	(tag) =	ssettag s2;
	_ =	strace s9  }
0x27: {  	s1 =	sld [smem:$0x3FAF]  }
0x28: {  	s2 =	sld [smem:$0x3FB0]  }
0x29: {  	s4 =	sld [smem:$0x3FB2]  }
0x2a: {  	p0 =	seq.s32 s5, $0x0;
	s5 =	sld [smem:$0x3FB3]  }
0x2b: {  	s6 =	sld [smem:$0x3FB4]  }
0x2c: {  	s7 =	sld [smem:$0x3FB5]  }
0x2d: {  	s3 =	simm.s32 $0x108;
	s8 =	sld [smem:$0x3FB6]  }
0x2e: {  	s3 =	simm.s32 @!p0 $0x1082;
	s9 =	sld [smem:$0x3FB7]  }
0x2f: {  	lr =	sadd.s32 s0, s3;
	s0 =	sld [smem:$0x3FAE]  }
0x30: {  	s3 =	sld [smem:$0x3FB1]  }
0x31: {  	[smem:$0x3FBA] =	sst s10  }
0x32: {  	s10 =	sld [smem:$0x3FB8];
	_ =	sdelay $0x3  }
0x33: {  	p0 =	seq.s32 s10, $0x1;
	s10 =	sld [smem:$0x3FBA];
	_ =	sdelay $0x3  }
0x34: {  	[smem:$0x3FBA] =	sst s10  }
0x35: {  	s10 =	sld [smem:$0x3FB9];
	_ =	sdelay $0x3  }
0x36: {  	p1 =	seq.s32 s10, $0x1;
	s10 =	sld [smem:$0x3FBA];
	_ =	sdelay $0x3  }
0x37: {  	[smem:$0x3FBA] =	sst s10  }
0x38: {  	s10 =	sld [smem:$0x3FBB]  }
0x39: {  	_ = 	snop;
	(pc) =	sbr.ind lr, $3  }
0x3a: {  	_ = 	snop  }
0x3b: {  	_ = 	snop  }
0x3c: {  	p2 =	seq.s32 s10, $0x1;
	s10 =	sld [smem:$0x3FBA]  }
0x3d: {  	_ =	shalt  }
0x3e: {  	_ =	shalt  }
0x3f: {  	_ =	shalt  }
0x40: {  	_ =	shalt  }
0x41: {  	_ =	shalt  }
0x42: {  	_ =	shalt  }
0x43: {  	_ =	shalt  }
0x44: {  	_ =	shalt  }
0x45: {  	_ =	shalt  }
0x46: {  	_ =	shalt  }
0x47: {  	_ =	shalt  }
0x48: {  	_ =	shalt  }
0x49: {  	_ =	shalt  }
0x4a: {  	_ =	shalt  }
0x4b: {  	_ =	shalt  }
0x4c: {  	_ =	shalt  }
0x4d: {  	_ =	shalt  }
0x4e: {  	_ =	shalt  }
0x4f: {  	_ =	shalt  }
0x50: {  	_ =	shalt  }
0x51: {  	_ =	shalt  }
0x52: {  	_ =	shalt  }
0x53: {  	_ =	shalt  }
0x54: {  	_ =	shalt  }
0x55: {  	_ =	shalt  }
0x56: {  	_ =	shalt  }
0x57: {  	_ =	shalt  }
0x58: {  	_ =	shalt  }
0x59: {  	_ =	shalt  }
0x5a: {  	_ =	shalt  }
0x5b: {  	_ =	shalt  }
0x5c: {  	_ =	shalt  }
0x5d: {  	_ =	shalt  }
0x5e: {  	_ =	shalt  }
0x5f: {  	_ =	shalt  }
0x60: {  	_ =	shalt  }
0x61: {  	_ =	shalt  }
0x62: {  	_ =	shalt  }
0x63: {  	_ =	shalt  }
0x64: {  	_ =	shalt  }
0x65: {  	_ =	shalt  }
0x66: {  	_ =	shalt  }
0x67: {  	_ =	shalt  }
0x68: {  	_ =	shalt  }
0x69: {  	_ =	shalt  }
0x6a: {  	_ =	shalt  }
0x6b: {  	_ =	shalt  }
0x6c: {  	_ =	shalt  }
0x6d: {  	_ =	shalt  }
0x6e: {  	_ =	shalt  }
0x6f: {  	_ =	shalt  }
0x70: {  	_ =	shalt  }
0x71: {  	_ =	shalt  }
0x72: {  	_ =	shalt  }
0x73: {  	_ =	shalt  }
0x74: {  	_ =	shalt  }
0x75: {  	_ =	shalt  }
0x76: {  	_ =	shalt  }
0x77: {  	_ =	shalt  }
0x78: {  	_ =	shalt  }
0x79: {  	_ =	shalt  }
0x7a: {  	_ =	shalt  }
0x7b: {  	_ =	shalt  }
0x7c: {  	_ =	shalt  }
0x7d: {  	_ =	shalt  }
0x7e: {  	_ =	shalt  }
0x7f: {  	_ =	shalt  }
0x80: {  	_ =	shalt  }
0x81: {  	_ =	shalt  }
0x82: {  	_ =	shalt  }
0x83: {  	_ =	shalt  }
0x84: {  	_ =	shalt  }
0x85: {  	_ =	shalt  }
0x86: {  	_ =	shalt  }
0x87: {  	_ =	shalt  }
.Lfunc_end0:
.L_simem_size_0:
called_computation_lowered:
.L_overlay_start_0:
0x88: {  	s2 =	sld [smem:$0x3FD9]  }
0x89: {  	s3 =	sld [smem:$0x3FFE];
	_ =	sdelay $0x1  }
0x8a: {  	s1 =	srdreg.scid  }
0x8b: {  	s0 =	sand.u32 $0x1, s1  }
0x8c: {  	s17 =	sshll.u32 s0, $0xA;
	s2 =	sadd.s32 s3, s2  }
0x8d: {  	s2 =	sadd.s32 s2, s17  }
0x8e: {  	[smem:$0x3FC6] =	sst s2  }
0x8f: {  	_ = 	snop  }
0x90: {  	s2 =	sld [smem:$0x3FC9]  }
0x91: {  	s18 =	sld [smem:$0x3FC8];
	(tm) =	ssettm $0x1  }
0x92: {  	s4 =	sld [smem:$0x3FFB];
	_ =	sdelay $0x3  }
0x93: {  	_ =	strace s4  }
0x94: {  	s4 =	sld [smem:$0x3FFC];
	_ =	sdelay $0x3  }
0x95: {  	_ =	strace s4  }
0x96: {  	s4 =	sld [smem:$0x3FFD];
	_ =	sdelay $0x3  }
0x97: {  	_ =	strace s4  }
0x98: {  	_ =	strace $0x8FFFFFFF  }
0x99: {  	s19 =	sld [smem:$0x3FDB];
	_ =	sdelay $0x1  }
0x9a: {  	s5 =	simm.s32 $_scs_section_size  }
0x9b: {  	s6 =	simm.s32 $_size__tile_overlayer_lowered;
	s7 =	simm.s32 $_tile_overlayer_lowered  }
0x9c: {  	s22 =	simm.s32 $0x1BFF;
	s21 =	sshll.u32 s7, $0x1;
	s4 =	sadd.s32 s5, s19  }
0x9d: {  	s8 =	simm.s32 $0x0;
	s20 =	sshll.u32 s6, $0x1;
	s6 =	sadd.s32 s21, s4  }
0x9e: {  	[timem:s8], [sflag:s22] =	dma.local [hbm:s6], s20  }
0x9f: {  	_ =	swait.ge [sflag:s22], s20  }
0xa0: {  	s5 =	ssub.s32 $0x0, s20;
	[sflag:s22] =	ssyncset.done $0x0  }
0xa1: {  	[sflag:s22] =	ssyncadd.s32 s5;
	_ =	sdelay $0x1  }
0xa2: {  	s23 =	simm.s32 $0x1B8B  }
0xa3: {  	_ =	swait.ge [sflag:s23], $0x1  }
0xa4: {  	[sflag:s23] =	ssyncset.done $0x0  }
0xa5: {  	s25 =	simm.s32 $0x1B8E;
	s24 =	sld [smem:$0x3FFE];
	[sflag:s23] =	ssyncadd.s32 $0xFFFFFFFF  }
0xa6: {  	s26 =	simm.s32 $execute0_lowered;
	[smem:$0x3FD2] =	sst s25  }
0xa7: {  	s6 =	sshll.u32 s26, $0x1;
	_ =	strace $0x80000046;
	[dreg:$0x1] =	wrdreg $0xFFFFFFFF  }
0xa8: {  	s28 =	simm.s32 $_size_execute0_lowered;
	s4 =	sadd.s32 s4, s6;
	[dreg:$0x0] =	wrdreg $0x0  }
0xa9: {  	s6 =	sshll.u32 s28, $0x1;
	[dreg:$0x2] =	wrdreg s4  }
0xaa: {  	[dreg:$0x3] =	wrdreg s6  }
0xab: {  	[dreg:$0x4] =	wrdreg $0xC0  }
0xac: {  	_ =	task [dreg:s8], $0x5FFFF  }
0xad: {  	[dreg:$0x1] =	wrdreg $0xFFFFFFFF  }
0xae: {  	[dreg:$0x0] =	wrdreg $0x60  }
0xaf: {  	[dreg:$0x2] =	wrdreg s2  }
0xb0: {  	[dreg:$0x3] =	wrdreg s18  }
0xb1: {  	[dreg:$0x4] =	wrdreg s24  }
0xb2: {  	[dreg:$0x5] =	wrdreg $0x0  }
0xb3: {  	[dreg:$0x6] =	wrdreg $0x20000  }
0xb4: {  	[dreg:$0x7] =	wrdreg $0x9  }
0xb5: {  	_ =	task.clear_ibuf [dreg:s8], $0x8FFFF;
	_ =	strace $0x90000046  }
0xb6: {  	s29 =	simm.s32 $0x9;
	_ =	strace $0x80000048  }
0xb7: {  	_ =	swait.ge [sflag:s29], $0x1  }
0xb8: {  	[sflag:s29] =	ssyncadd.s32 $0xFFFFFFFF  }
0xb9: {  	_ =	strace $0x90000048  }
0xba: {  	_ =	sfence  }
0xbb: {  	s30 =	sld [smem:$0x0];
	_ =	sdelay $0x2  }
0xbc: {  	s31 =	sshll.u32 s1, $0xD;
	s1 =	sshrl.u32 s1, $0x2  }
0xbd: {  	s3 =	sand.u32 $0x4000, s31;
	s1 =	sadd.s32 s1, s30  }
0xbe: {  	s0 =	sor.u32 s3, s0;
	s1 =	sshll.u32 s1, $0x11  }
0xbf: {  	s0 =	sor.u32 s1, s0  }
0xc0: {  	s0 =	sadd.s32 $0x8F2B, s0  }
0xc1: {  	[sflag:s0] =	ssyncadd.remote.s32 $0x1  }
0xc2: {  	_ =	sfence.sel $0xFFFF  }
0xc3: {  	[dreg:$0x0] =	wrdreg $0xFFFFFFFF;
	(pc) =	sbr.abs _section_cstart, $3  }
0xc4: {  	[dreg:$0x1] =	wrdreg $0xFFFFFFFF  }
0xc5: {  	_ =	task.clear_ibuf [dreg:s8], $0x2FFFF;
	_ =	strace $0x9FFFFFFF  }
0xc6: {  	(tm) =	ssettm $0x7FFFFFFF  }
0xc7: {  	_ =	shalt  }
tec
execute0_lowered:
.L_overlay_start_1:
0x0: {  	(tag) =	ssettag $0x1  }
0x1: {  	s0 =	rddreg [dreg:$0x0]  }
0x2: {  	s1 =	rddreg [dreg:$0x1]  }
0x3: {  	s4 =	rddreg [dreg:$0x2]  }
0x4: {  	s2 =	rddreg [dreg:$0x3]  }
0x5: {  	s3 =	rddreg [dreg:$0x4]  }
0x6: {  	s5 =	srdreg.scid;
	s12 =	stileid.u32  }
0x7: {  	s6 =	simm.s32 $0x0;
	s17 =	simm.s32 $0x4000;
	s18 =	simm.s32 $0x7  }
0x8: {  	s19 =	simm.s32 $0x6000;
	s8 =	sand.u32 $0x1, s5;
	s7 =	sshll.u32 s12, $0xD  }
0x9: {  	[smem:$0x7FF] =	sst s6;
	s9 =	sshll.u32 s12, $0x1;
	s24 =	sadd.s32 $0x186800, s0  }
0xa: {  	s25 =	sadd.s32 $0x30D0, s1;
	s28 =	sshll.u32 s12, $0x5;
	s29 =	sshll.u32 s12, $0xC  }
0xb: {  	s5 =	sshll.u32 s8, $0x11;
	_ =	strace $0x80000047;
	[dreg:$0x8] =	wrdreg s24  }
0xc: {  	s21 =	ssub.s32 $0x2, s8;
	s6 =	sadd.s32 s7, s2;
	[dreg:$0x9] =	wrdreg s25  }
0xd: {  	s30 =	sshll.u32 s8, $0x4;
	s31 =	sshll.u32 s8, $0xB;
	s5 =	sor.u32 s7, s5  }
0xe: {  	s22 =	sshrl.u32 s21, $0x1;
	s7 =	sadd.s32 s7, s3;
	s5 =	sshrl.u32 s5, $0x3  }
0xf: {  	s10 =	ssub.s32 s21, s22;
	s4 =	sadd.s32 s5, s4;
	s5 =	sor.u32 s8, s9  }
0x10: {  	s22 =	simm.s32 $0x0;
	s14 =	smax.u32 s10, $0x1;
	s9 =	sshll.u32 s5, $0xB  }
0x11: {  	s11 =	sshll.u32 s5, $0x4;
	s26 =	sadd.s32 $0xC00, s4;
	s13 =	sadd.s32 $0x8C00, s4  }
0x12: {  	p0 =	sne.s32 s5, $0x1F;
	s9 =	sadd.s32 s0, s9;
	s23 =	sadd.s32 s1, s11  }
0x13: {  	[dreg:$0xa] =	wrdreg s26;
	s1 =	sadd.s32 s28, s1;
	s0 =	sadd.s32 s29, s0  }
0x14: {  	[dreg:$0x6] =	wrdreg s9;
	s1 =	sadd.s32 s30, s1;
	s0 =	sadd.s32 s31, s0  }
0x15: {  	v0 =	vimm.f32 $0.0e+00;
	v1 =	vimm.f32 $1.000000000e+00;
	[dreg:$0x7] =	wrdreg s23;
	s1 =	sadd.s32 $0x600, s1;
	s0 =	sadd.s32 $0x30000, s0  }
.LBB2_1:
0x16: {  	s4 =	simm.s32 $0x0;
	s8 =	simm.s32 $0x200  }
.LBB2_2:
0x17: {  	p1 =	sne.s32 s8, $0x7E00;
	[tilespmem:s4+$0x6070] =	vst v0  }
0x18: {  	[tilespmem:s4+$0x4000] =	vst v0  }
0x19: {  	[tilespmem:s4+$0x6000] =	vst v0  }
0x1a: {  	[tilespmem:s4+$0x4010] =	vst v0  }
0x1b: {  	[tilespmem:s4+$0x6010] =	vst v0  }
0x1c: {  	[tilespmem:s4+$0x4020] =	vst v0  }
0x1d: {  	[tilespmem:s4+$0x6020] =	vst v0  }
0x1e: {  	[tilespmem:s4+$0x4030] =	vst v0  }
0x1f: {  	[tilespmem:s4+$0x6030] =	vst v0  }
0x20: {  	[tilespmem:s4+$0x4040] =	vst v0  }
0x21: {  	[tilespmem:s4+$0x6040] =	vst v0  }
.Ltmp0:
0x22: {  	[tilespmem:s4+$0x4050] =	vst v0;
	(pc) =	sbr.rel @p1 .LBB2_2-.Ltmp0, $4  }
0x23: {  	[tilespmem:s4+$0x6050] =	vst v0  }
0x24: {  	[tilespmem:s4+$0x4060] =	vst v0  }
0x25: {  	[tilespmem:s4+$0x6060] =	vst v0  }
0x26: {  	[tilespmem:s4+$0x4070] =	vst v0;
	s4 =	sshra.s32 s8, $0x2;
	s8 =	sadd.s32 $0x200, s8  }
0x27: {  	[tilespmem:s4+$0x6070] =	vst v0  }
0x28: {  	[tilespmem:s4+$0x4000] =	vst v0  }
0x29: {  	[tilespmem:s4+$0x6000] =	vst v0  }
0x2a: {  	[tilespmem:s4+$0x4010] =	vst v0  }
0x2b: {  	[tilespmem:s4+$0x6010] =	vst v0  }
0x2c: {  	[tilespmem:s4+$0x4020] =	vst v0  }
0x2d: {  	[tilespmem:s4+$0x6020] =	vst v0  }
0x2e: {  	[tilespmem:s4+$0x4030] =	vst v0  }
0x2f: {  	[tilespmem:s4+$0x6030] =	vst v0  }
0x30: {  	[tilespmem:s4+$0x4040] =	vst v0  }
0x31: {  	[tilespmem:s4+$0x6040] =	vst v0  }
0x32: {  	[tilespmem:s4+$0x4050] =	vst v0  }
0x33: {  	[tilespmem:s4+$0x6050] =	vst v0  }
0x34: {  	[tilespmem:s4+$0x4060] =	vst v0  }
0x35: {  	[tilespmem:s4+$0x6060] =	vst v0  }
0x36: {  	[tilespmem:s4+$0x4070] =	vst v0;
	s4 =	simm.s32 $0x0;
	s8 =	simm.s32 $0x200  }
.LBB2_4:
0x37: {  	p1 =	sne.s32 s8, $0xFE00;
	[tilespmem:s4+$0x8070] =	vst v1  }
0x38: {  	[tilespmem:s4+$0x8000] =	vst v1  }
0x39: {  	[tilespmem:s4+$0x8010] =	vst v1  }
.Ltmp1:
0x3a: {  	[tilespmem:s4+$0x8020] =	vst v1;
	(pc) =	sbr.rel @p1 .LBB2_4-.Ltmp1, $4  }
0x3b: {  	[tilespmem:s4+$0x8030] =	vst v1  }
0x3c: {  	[tilespmem:s4+$0x8040] =	vst v1  }
0x3d: {  	[tilespmem:s4+$0x8050] =	vst v1  }
0x3e: {  	[tilespmem:s4+$0x8060] =	vst v1;
	s4 =	sshra.s32 s8, $0x2;
	s8 =	sadd.s32 $0x200, s8  }
0x3f: {  	[tilespmem:s4+$0x8070] =	vst v1  }
0x40: {  	[tilespmem:s4+$0x8000] =	vst v1  }
0x41: {  	[tilespmem:s4+$0x8010] =	vst v1  }
0x42: {  	[tilespmem:s4+$0x8020] =	vst v1  }
0x43: {  	[tilespmem:s4+$0x8030] =	vst v1  }
0x44: {  	[tilespmem:s4+$0x8040] =	vst v1  }
0x45: {  	[tilespmem:s4+$0x8050] =	vst v1  }
0x46: {  	[tilespmem:s4+$0x8060] =	vst v1  }
0x47: {  	[spmem:s6] =	stream.linear.scatter [tilespmem:s17], [sflag:$0x7], $0x2000, $0x38;
	[tilespmem:$0x19200] =	vst v63  }
0x48: {  	_ =	swait.ge [sflag:s18], $0x2000  }
0x49: {  	[sflag:s18] =	ssyncset.done $0x0  }
0x4a: {  	[sflag:s18] =	ssyncadd.s32 $0xFFFFE000  }
0x4b: {  	[spmem:s7] =	stream.linear.scatter [tilespmem:s19], [sflag:$0x7], $0x2000, $0x38;
	[tilespmem:$0x19200] =	vst v63  }
0x4c: {  	_ =	swait.ge [sflag:s18], $0x2000  }
0x4d: {  	[sflag:s18] =	ssyncset.done $0x0  }
0x4e: {  	s25 =	sadd.s32 $0x0, s5;
	[sflag:s18] =	ssyncadd.s32 $0xFFFFE000  }
0x4f: {  	s21 =	simm.s32 $0x0;
	p1 =	sgt.u32 s25, $0x30C;
	[bflag:$0x0] =	sbarrier.arrive $0xFFFF  }
0x50: {  	s9 =	simm.s32 $0xC000;
	p1 =	por p1, p1;
	s8 =	rddreg [dreg:$0x6]  }
0x51: {  	[tilespmem:s9], [sflag:$0x1] =	stream.linear.gather [hbm4b:s8+s21], $0x4000, $0x38;
	[tilespmem:$0x19200] =	vst v63  }
0x52: {  	s24 =	simm.s32 $0x18000;
	s23 =	rddreg [dreg:$0x7];
	s8 =	simm.s32 @!p1 $0x1  }
0x53: {  	[tilespmem:s24], [sflag:$0x1] =	stream.linear.gather [hbm4b:s23+s21], $0x80, $0x38;
	[tilespmem:$0x19200] =	vst v63  }
0x54: {  	_ =	swait.ge @!p1 [sflag:s8], $0x4000  }
0x55: {  	[sflag:s8] =	ssyncset.done @!p1 $0x0  }
0x56: {  	[sflag:s8] =	ssyncadd.s32 @!p1 $0xFFFFC000  }
0x57: {  	_ =	swait.ge @!p1 [sflag:s8], $0x80  }
0x58: {  	s26 =	sadd.s32 $0xFFFFFFC0, s25;
	s10 =	simm.s32 @!p1 $0x80;
	[sflag:s8] =	ssyncset.done @!p1 $0x0  }
0x59: {  	s15 =	simm.s32 @!p1 $0x18000;
	[sflag:s8] =	ssyncadd.s32 @!p1 $0xFFFFFF80;
	s8 =	simm.s32 @!p1 $0xC000  }
0x5a: {  	[spmem:s2] =	stream.indirect.scatter.add.f32 @!p1 [tilespmem:s8], [sflag:$0x4], $0x80, s15, s10, $0xb8;
	[tilespmem:$0x19200] =	vst v63  }
0x5b: {  	p3 =	sgt.u32 s26, $0x30C;
	s8 =	simm.s32 @!p1 $0x8000  }
0x5c: {  	[spmem:s3] =	stream.indirect.scatter.add.f32 @!p1 [tilespmem:s8], [sflag:$0x4], $0x80, s15, s10, $0xb8;
	[tilespmem:$0x19200] =	vst v63  }
0x5d: {  	s8 =	simm.s32 @!p3 $0x5  }
0x5e: {  	_ =	swait.ge @!p3 [sflag:s8], $0x4000  }
0x5f: {  	[sflag:s8] =	ssyncset.done @!p3 $0x0  }
0x60: {  	[sflag:s8] =	ssyncadd.s32 @!p3 $0xFFFFC000  }
0x61: {  	s11 =	sadd.s32 $0x20, s25;
	p4 =	sgt.u32 s25, $0x2EC;
	_ =	swait.ge @!p3 [sflag:s8], $0x4000  }
0x62: {  	p2 =	sgt.u32 s11, $0x30C;
	s16 =	simm.s32 @!p4 $0x10000;
	[sflag:s8] =	ssyncset.done @!p3 $0x0  }
0x63: {  	s10 =	sadd.s32 @!p4 $0xFFFE0000, s0;
	s15 =	simm.s32 @!p4 $0x0;
	[sflag:s8] =	ssyncadd.s32 @!p3 $0xFFFFC000  }
0x64: {  	[tilespmem:s16], [sflag:$0x2] =	stream.linear.gather @!p4 [hbm4b:s10+s15], $0x4000, $0x38;
	[tilespmem:$0x19200] =	vst v63  }
0x65: {  	s8 =	simm.s32 @!p4 $0x18080;
	s10 =	sadd.s32 @!p4 $0xFFFFFC00, s1;
	s16 =	simm.s32 @!p2 $0x2  }
0x66: {  	[tilespmem:s8], [sflag:$0x2] =	stream.linear.gather @!p4 [hbm4b:s10+s15], $0x80, $0x38;
	[tilespmem:$0x19200] =	vst v63  }
0x67: {  	_ =	swait.ge @!p2 [sflag:s16], $0x4000  }
0x68: {  	[sflag:s16] =	ssyncset.done @!p2 $0x0  }
0x69: {  	[sflag:s16] =	ssyncadd.s32 @!p2 $0xFFFFC000  }
0x6a: {  	s12 =	sadd.s32 $0xFFFFFFE0, s25;
	_ =	swait.ge @!p2 [sflag:s16], $0x80  }
0x6b: {  	s20 =	simm.s32 @!p2 $0x18080;
	p3 =	sgt.u32 s12, $0x30C;
	[sflag:s16] =	ssyncset.done @!p2 $0x0  }
0x6c: {  	s10 =	simm.s32 @!p2 $0x10000;
	s15 =	simm.s32 @!p2 $0x80;
	[sflag:s16] =	ssyncadd.s32 @!p2 $0xFFFFFF80  }
0x6d: {  	[spmem:s2] =	stream.indirect.scatter.add.f32 @!p2 [tilespmem:s10], [sflag:$0x5], $0x80, s20, s15, $0xb8;
	[tilespmem:$0x19200] =	vst v63  }
0x6e: {  	s8 =	simm.s32 @!p2 $0x8000;
	s10 =	simm.s32 @!p3 $0x6  }
0x6f: {  	[spmem:s3] =	stream.indirect.scatter.add.f32 @!p2 [tilespmem:s8], [sflag:$0x5], $0x80, s20, s15, $0xb8;
	[tilespmem:$0x19200] =	vst v63  }
0x70: {  	_ =	swait.ge @!p3 [sflag:s10], $0x4000  }
0x71: {  	[sflag:s10] =	ssyncset.done @!p3 $0x0  }
0x72: {  	[sflag:s10] =	ssyncadd.s32 @!p3 $0xFFFFC000  }
0x73: {  	s21 =	sadd.s32 $0x40, s25;
	p4 =	sgt.u32 s11, $0x2EC;
	_ =	swait.ge @!p3 [sflag:s10], $0x4000  }
0x74: {  	s4 =	sadd.s32 @!p4 $0xFFFF0000, s0;
	s9 =	simm.s32 @!p4 $0x0;
	[sflag:s10] =	ssyncset.done @!p3 $0x0  }
0x75: {  	p2 =	sgt.u32 s21, $0x30C;
	s15 =	simm.s32 @!p4 $0x14000;
	[sflag:s10] =	ssyncadd.s32 @!p3 $0xFFFFC000  }
0x76: {  	[tilespmem:s15], [sflag:$0x3] =	stream.linear.gather @!p4 [hbm4b:s4+s9], $0x4000, $0x38;
	[tilespmem:$0x19200] =	vst v63  }
0x77: {  	s10 =	sadd.s32 @!p4 $0xFFFFFE00, s1;
	s4 =	simm.s32 @!p4 $0x18100;
	s15 =	simm.s32 @!p2 $0x3  }
0x78: {  	[tilespmem:s4], [sflag:$0x3] =	stream.linear.gather @!p4 [hbm4b:s10+s9], $0x80, $0x38;
	[tilespmem:$0x19200] =	vst v63  }
0x79: {  	_ =	swait.ge @!p2 [sflag:s15], $0x4000  }
0x7a: {  	[sflag:s15] =	ssyncset.done @!p2 $0x0  }
0x7b: {  	s28 =	simm.s32 $0xC0;
	s30 =	simm.s32 $0x120;
	[sflag:s15] =	ssyncadd.s32 @!p2 $0xFFFFC000  }
0x7c: {  	s26 =	sadd.s32 $0x30000, s0;
	s25 =	sadd.s32 $0x600, s1;
	_ =	swait.ge @!p2 [sflag:s15], $0x80  }
0x7d: {  	s24 =	sadd.s32 $0x30000, s26;
	s4 =	simm.s32 @!p2 $0x14000;
	[sflag:s15] =	ssyncset.done @!p2 $0x0  }
0x7e: {  	s9 =	simm.s32 @!p2 $0x80;
	s10 =	simm.s32 @!p2 $0x18100;
	[sflag:s15] =	ssyncadd.s32 @!p2 $0xFFFFFF80  }
0x7f: {  	[spmem:s2] =	stream.indirect.scatter.add.f32 @!p2 [tilespmem:s4], [sflag:$0x6], $0x80, s10, s9, $0xb8;
	[tilespmem:$0x19200] =	vst v63  }
0x80: {  	s23 =	sadd.s32 $0x600, s25;
	s15 =	simm.s32 @!p1 $0x4;
	s4 =	simm.s32 @!p2 $0x8000  }
0x81: {  	[spmem:s3] =	stream.indirect.scatter.add.f32 @!p2 [tilespmem:s4], [sflag:$0x6], $0x80, s10, s9, $0xb8;
	[tilespmem:$0x19200] =	vst v63  }
0x82: {  	s16 =	smov.u32 s0;
	p3 =	sgt.u32 s21, $0x2EC;
	_ =	swait.ge @!p1 [sflag:s15], $0x4000  }
0x83: {  	s21 =	simm.s32 @!p3 $0xC000;
	s4 =	sadd.s32 $0x60, s5;
	[sflag:s15] =	ssyncset.done @!p1 $0x0  }
0x84: {  	s9 =	simm.s32 @!p3 $0x0;
	s10 =	simm.s32 @!p3 $0x18000;
	[sflag:s15] =	ssyncadd.s32 @!p1 $0xFFFFC000  }
0x85: {  	p4 =	sgt.u32 s4, $0x30C;
	s8 =	sadd.s32 $0xFFFFFFC0, s4;
	_ =	swait.ge @!p1 [sflag:s15], $0x4000  }
0x86: {  	s31 =	sadd.s32 $0x20, s4;
	s20 =	sadd.s32 $0xFFFFFFE0, s4;
	[sflag:s15] =	ssyncset.done @!p1 $0x0  }
0x87: {  	s29 =	sadd.s32 $0x40, s4;
	[sflag:s15] =	ssyncadd.s32 @!p1 $0xFFFFC000;
	s15 =	smov.u32 s1  }
.LBB2_6:
0x88: {  	[tilespmem:s21], [sflag:$0x1] =	stream.linear.gather @!p3 [hbm4b:s16+s9], $0x4000, $0x38;
	[tilespmem:$0x19200] =	vst v63  }
0x89: {  	s21 =	smov.u32 s28  }
0x8a: {  	s28 =	smov.u32 s30;
	s16 =	smov.u32 s26;
	p1 =	por p4, p4  }
0x8b: {  	s30 =	sadd.s32 $0x60, s30;
	s26 =	smov.u32 s24;
	s11 =	simm.s32 @!p1 $0x1  }
0x8c: {  	[tilespmem:s10], [sflag:$0x1] =	stream.linear.gather @!p3 [hbm4b:s15+s9], $0x80, $0x38;
	[tilespmem:$0x19200] =	vst v63  }
0x8d: {  	p2 =	sne.s32 s30, $0x360;
	s15 =	smov.u32 s25;
	_ =	swait.ge @!p1 [sflag:s11], $0x4000  }
0x8e: {  	s25 =	smov.u32 s23;
	[sflag:s11] =	ssyncset.done @!p1 $0x0  }
0x8f: {  	[sflag:s11] =	ssyncadd.s32 @!p1 $0xFFFFC000  }
0x90: {  	_ =	swait.ge @!p1 [sflag:s11], $0x80  }
0x91: {  	s9 =	simm.s32 @!p1 $0x80;
	s10 =	simm.s32 @!p1 $0x18000;
	[sflag:s11] =	ssyncset.done @!p1 $0x0  }
0x92: {  	[sflag:s11] =	ssyncadd.s32 @!p1 $0xFFFFFF80;
	s11 =	simm.s32 @!p1 $0xC000  }
0x93: {  	[spmem:s2] =	stream.indirect.scatter.add.f32 @!p1 [tilespmem:s11], [sflag:$0x4], $0x80, s10, s9, $0xb8;
	[tilespmem:$0x19200] =	vst v63  }
0x94: {  	p4 =	sgt.u32 s8, $0x30C;
	s11 =	simm.s32 @!p1 $0x8000  }
0x95: {  	[spmem:s3] =	stream.indirect.scatter.add.f32 @!p1 [tilespmem:s11], [sflag:$0x4], $0x80, s10, s9, $0xb8;
	[tilespmem:$0x19200] =	vst v63  }
0x96: {  	s8 =	simm.s32 @!p4 $0x5  }
0x97: {  	_ =	swait.ge @!p4 [sflag:s8], $0x4000  }
0x98: {  	[sflag:s8] =	ssyncset.done @!p4 $0x0  }
0x99: {  	p5 =	sgt.u32 s4, $0x2EC;
	p3 =	sgt.u32 s31, $0x30C;
	[sflag:s8] =	ssyncadd.s32 @!p4 $0xFFFFC000  }
0x9a: {  	s4 =	sadd.s32 @!p5 $0xFFFE0000, s16;
	s9 =	simm.s32 @!p5 $0x18080;
	_ =	swait.ge @!p4 [sflag:s8], $0x4000  }
0x9b: {  	s10 =	simm.s32 @!p5 $0x0;
	s11 =	simm.s32 @!p5 $0x10000;
	[sflag:s8] =	ssyncset.done @!p4 $0x0  }
0x9c: {  	[sflag:s8] =	ssyncadd.s32 @!p4 $0xFFFFC000  }
0x9d: {  	[tilespmem:s11], [sflag:$0x2] =	stream.linear.gather @!p5 [hbm4b:s4+s10], $0x4000, $0x38;
	[tilespmem:$0x19200] =	vst v63  }
0x9e: {  	s8 =	simm.s32 @!p3 $0x2;
	s4 =	sadd.s32 @!p5 $0xFFFFFC00, s15  }
0x9f: {  	[tilespmem:s9], [sflag:$0x2] =	stream.linear.gather @!p5 [hbm4b:s4+s10], $0x80, $0x38;
	[tilespmem:$0x19200] =	vst v63  }
0xa0: {  	_ =	swait.ge @!p3 [sflag:s8], $0x4000  }
0xa1: {  	[sflag:s8] =	ssyncset.done @!p3 $0x0  }
0xa2: {  	s4 =	simm.s32 @!p3 $0x10000;
	[sflag:s8] =	ssyncadd.s32 @!p3 $0xFFFFC000  }
0xa3: {  	s9 =	simm.s32 @!p3 $0x80;
	s10 =	simm.s32 @!p3 $0x18080;
	_ =	swait.ge @!p3 [sflag:s8], $0x80  }
0xa4: {  	p4 =	sgt.u32 s20, $0x30C;
	s11 =	simm.s32 @!p3 $0x8000;
	[sflag:s8] =	ssyncset.done @!p3 $0x0  }
0xa5: {  	[sflag:s8] =	ssyncadd.s32 @!p3 $0xFFFFFF80  }
0xa6: {  	[spmem:s2] =	stream.indirect.scatter.add.f32 @!p3 [tilespmem:s4], [sflag:$0x5], $0x80, s10, s9, $0xb8;
	[tilespmem:$0x19200] =	vst v63  }
0xa7: {  	s4 =	simm.s32 @!p4 $0x6  }
0xa8: {  	[spmem:s3] =	stream.indirect.scatter.add.f32 @!p3 [tilespmem:s11], [sflag:$0x5], $0x80, s10, s9, $0xb8;
	[tilespmem:$0x19200] =	vst v63  }
0xa9: {  	_ =	swait.ge @!p4 [sflag:s4], $0x4000  }
0xaa: {  	[sflag:s4] =	ssyncset.done @!p4 $0x0  }
0xab: {  	p5 =	sgt.u32 s31, $0x2EC;
	p3 =	sgt.u32 s29, $0x30C;
	[sflag:s4] =	ssyncadd.s32 @!p4 $0xFFFFC000  }
0xac: {  	s8 =	sadd.s32 @!p5 $0xFFFF0000, s16;
	s9 =	simm.s32 @!p5 $0x18100;
	_ =	swait.ge @!p4 [sflag:s4], $0x4000  }
0xad: {  	s10 =	simm.s32 @!p5 $0x0;
	s11 =	simm.s32 @!p5 $0x14000;
	[sflag:s4] =	ssyncset.done @!p4 $0x0  }
0xae: {  	[sflag:s4] =	ssyncadd.s32 @!p4 $0xFFFFC000  }
0xaf: {  	[tilespmem:s11], [sflag:$0x3] =	stream.linear.gather @!p5 [hbm4b:s8+s10], $0x4000, $0x38;
	[tilespmem:$0x19200] =	vst v63  }
0xb0: {  	s4 =	sadd.s32 @!p5 $0xFFFFFE00, s15;
	s8 =	simm.s32 @!p3 $0x3  }
0xb1: {  	[tilespmem:s9], [sflag:$0x3] =	stream.linear.gather @!p5 [hbm4b:s4+s10], $0x80, $0x38;
	[tilespmem:$0x19200] =	vst v63  }
0xb2: {  	_ =	swait.ge @!p3 [sflag:s8], $0x4000  }
0xb3: {  	[sflag:s8] =	ssyncset.done @!p3 $0x0  }
0xb4: {  	s4 =	simm.s32 @!p3 $0x14000;
	[sflag:s8] =	ssyncadd.s32 @!p3 $0xFFFFC000  }
0xb5: {  	s9 =	simm.s32 @!p3 $0x80;
	s10 =	simm.s32 @!p3 $0x18100;
	_ =	swait.ge @!p3 [sflag:s8], $0x80  }
0xb6: {  	s11 =	simm.s32 @!p3 $0x8000;
	[sflag:s8] =	ssyncset.done @!p3 $0x0  }
0xb7: {  	[sflag:s8] =	ssyncadd.s32 @!p3 $0xFFFFFF80  }
0xb8: {  	[spmem:s2] =	stream.indirect.scatter.add.f32 @!p3 [tilespmem:s4], [sflag:$0x6], $0x80, s10, s9, $0xb8;
	[tilespmem:$0x19200] =	vst v63  }
0xb9: {  	s24 =	sadd.s32 $0x30000, s24;
	s12 =	simm.s32 @!p1 $0x4  }
0xba: {  	[spmem:s3] =	stream.indirect.scatter.add.f32 @!p3 [tilespmem:s11], [sflag:$0x6], $0x80, s10, s9, $0xb8;
	[tilespmem:$0x19200] =	vst v63  }
0xbb: {  	s23 =	sadd.s32 $0x600, s23;
	s4 =	sadd.s32 s21, s5;
	_ =	swait.ge @!p1 [sflag:s12], $0x4000  }
.Ltmp2:
0xbc: {  	p3 =	sgt.u32 s29, $0x2EC;
	[sflag:s12] =	ssyncset.done @!p1 $0x0;
	(pc) =	sbr.rel @p2 .LBB2_6-.Ltmp2, $4  }
0xbd: {  	p4 =	sgt.u32 s4, $0x30C;
	s8 =	sadd.s32 $0xFFFFFFC0, s4;
	[sflag:s12] =	ssyncadd.s32 @!p1 $0xFFFFC000  }
0xbe: {  	s31 =	sadd.s32 $0x20, s4;
	s20 =	sadd.s32 $0xFFFFFFE0, s4;
	_ =	swait.ge @!p1 [sflag:s12], $0x4000  }
0xbf: {  	s29 =	sadd.s32 $0x40, s4;
	s9 =	simm.s32 @!p3 $0x0;
	[sflag:s12] =	ssyncset.done @!p1 $0x0  }
0xc0: {  	s21 =	simm.s32 @!p3 $0xC000;
	s10 =	simm.s32 @!p3 $0x18000;
	[sflag:s12] =	ssyncadd.s32 @!p1 $0xFFFFC000  }
0xc1: {  	[tilespmem:s21], [sflag:$0x1] =	stream.linear.gather @!p3 [hbm4b:s16+s9], $0x4000, $0x38;
	[tilespmem:$0x19200] =	vst v63  }
0xc2: {  	p1 =	por p4, p4  }
0xc3: {  	[tilespmem:s10], [sflag:$0x1] =	stream.linear.gather @!p3 [hbm4b:s15+s9], $0x80, $0x38;
	[tilespmem:$0x19200] =	vst v63  }
0xc4: {  	s9 =	simm.s32 @!p1 $0x1  }
0xc5: {  	_ =	swait.ge @!p1 [sflag:s9], $0x4000  }
0xc6: {  	[sflag:s9] =	ssyncset.done @!p1 $0x0  }
0xc7: {  	[sflag:s9] =	ssyncadd.s32 @!p1 $0xFFFFC000  }
0xc8: {  	_ =	swait.ge @!p1 [sflag:s9], $0x80  }
0xc9: {  	p2 =	sgt.u32 s8, $0x30C;
	s11 =	simm.s32 @!p1 $0x18000;
	[sflag:s9] =	ssyncset.done @!p1 $0x0  }
0xca: {  	s10 =	simm.s32 @!p1 $0x80;
	[sflag:s9] =	ssyncadd.s32 @!p1 $0xFFFFFF80;
	s9 =	simm.s32 @!p1 $0xC000  }
0xcb: {  	[spmem:s2] =	stream.indirect.scatter.add.f32 @!p1 [tilespmem:s9], [sflag:$0x4], $0x80, s11, s10, $0xb8;
	[tilespmem:$0x19200] =	vst v63  }
0xcc: {  	s8 =	simm.s32 @!p2 $0x5;
	s9 =	simm.s32 @!p1 $0x8000  }
0xcd: {  	[spmem:s3] =	stream.indirect.scatter.add.f32 @!p1 [tilespmem:s9], [sflag:$0x4], $0x80, s11, s10, $0xb8;
	[tilespmem:$0x19200] =	vst v63  }
0xce: {  	_ =	swait.ge @!p2 [sflag:s8], $0x4000  }
0xcf: {  	[sflag:s8] =	ssyncset.done @!p2 $0x0  }
0xd0: {  	[sflag:s8] =	ssyncadd.s32 @!p2 $0xFFFFC000  }
0xd1: {  	p3 =	sgt.u32 s4, $0x2EC;
	_ =	swait.ge @!p2 [sflag:s8], $0x4000  }
0xd2: {  	s4 =	sadd.s32 @!p3 $0xFFFE0000, s26;
	[sflag:s8] =	ssyncset.done @!p2 $0x0  }
0xd3: {  	s9 =	simm.s32 @!p3 $0x0;
	[sflag:s8] =	ssyncadd.s32 @!p2 $0xFFFFC000;
	s8 =	simm.s32 @!p3 $0x10000  }
0xd4: {  	[tilespmem:s8], [sflag:$0x2] =	stream.linear.gather @!p3 [hbm4b:s4+s9], $0x4000, $0x38;
	[tilespmem:$0x19200] =	vst v63  }
0xd5: {  	p2 =	sgt.u32 s31, $0x30C;
	s4 =	simm.s32 @!p3 $0x18080;
	s8 =	sadd.s32 @!p3 $0xFFFFFC00, s25  }
0xd6: {  	[tilespmem:s4], [sflag:$0x2] =	stream.linear.gather @!p3 [hbm4b:s8+s9], $0x80, $0x38;
	[tilespmem:$0x19200] =	vst v63  }
0xd7: {  	s4 =	simm.s32 @!p2 $0x2  }
0xd8: {  	_ =	swait.ge @!p2 [sflag:s4], $0x4000  }
0xd9: {  	[sflag:s4] =	ssyncset.done @!p2 $0x0  }
0xda: {  	[sflag:s4] =	ssyncadd.s32 @!p2 $0xFFFFC000  }
0xdb: {  	_ =	swait.ge @!p2 [sflag:s4], $0x80  }
0xdc: {  	s8 =	simm.s32 @!p2 $0x10000;
	[sflag:s4] =	ssyncset.done @!p2 $0x0  }
0xdd: {  	s9 =	simm.s32 @!p2 $0x80;
	[sflag:s4] =	ssyncadd.s32 @!p2 $0xFFFFFF80;
	s4 =	simm.s32 @!p2 $0x18080  }
0xde: {  	[spmem:s2] =	stream.indirect.scatter.add.f32 @!p2 [tilespmem:s8], [sflag:$0x5], $0x80, s4, s9, $0xb8;
	[tilespmem:$0x19200] =	vst v63  }
0xdf: {  	s8 =	simm.s32 @!p2 $0x8000  }
0xe0: {  	[spmem:s3] =	stream.indirect.scatter.add.f32 @!p2 [tilespmem:s8], [sflag:$0x5], $0x80, s4, s9, $0xb8;
	[tilespmem:$0x19200] =	vst v63  }
0xe1: {  	p2 =	sgt.u32 s20, $0x30C  }
0xe2: {  	s4 =	simm.s32 @!p2 $0x6  }
0xe3: {  	_ =	swait.ge @!p2 [sflag:s4], $0x4000  }
0xe4: {  	[sflag:s4] =	ssyncset.done @!p2 $0x0  }
0xe5: {  	[sflag:s4] =	ssyncadd.s32 @!p2 $0xFFFFC000  }
0xe6: {  	p3 =	sgt.u32 s31, $0x2EC;
	_ =	swait.ge @!p2 [sflag:s4], $0x4000  }
0xe7: {  	s8 =	sadd.s32 @!p3 $0xFFFF0000, s26;
	[sflag:s4] =	ssyncset.done @!p2 $0x0  }
0xe8: {  	s9 =	simm.s32 @!p3 $0x0;
	[sflag:s4] =	ssyncadd.s32 @!p2 $0xFFFFC000;
	s4 =	simm.s32 @!p3 $0x14000  }
0xe9: {  	[tilespmem:s4], [sflag:$0x3] =	stream.linear.gather @!p3 [hbm4b:s8+s9], $0x4000, $0x38;
	[tilespmem:$0x19200] =	vst v63  }
0xea: {  	p2 =	sgt.u32 s29, $0x30C;
	s4 =	simm.s32 @!p3 $0x18100;
	s8 =	sadd.s32 @!p3 $0xFFFFFE00, s25  }
0xeb: {  	[tilespmem:s4], [sflag:$0x3] =	stream.linear.gather @!p3 [hbm4b:s8+s9], $0x80, $0x38;
	[tilespmem:$0x19200] =	vst v63  }
0xec: {  	s4 =	simm.s32 @!p2 $0x3  }
0xed: {  	_ =	swait.ge @!p2 [sflag:s4], $0x4000  }
0xee: {  	[sflag:s4] =	ssyncset.done @!p2 $0x0  }
0xef: {  	[sflag:s4] =	ssyncadd.s32 @!p2 $0xFFFFC000  }
0xf0: {  	_ =	swait.ge @!p2 [sflag:s4], $0x80  }
0xf1: {  	s8 =	simm.s32 @!p2 $0x14000;
	[sflag:s4] =	ssyncset.done @!p2 $0x0  }
0xf2: {  	s9 =	simm.s32 @!p2 $0x80;
	[sflag:s4] =	ssyncadd.s32 @!p2 $0xFFFFFF80;
	s4 =	simm.s32 @!p2 $0x18100  }
0xf3: {  	[spmem:s2] =	stream.indirect.scatter.add.f32 @!p2 [tilespmem:s8], [sflag:$0x6], $0x80, s4, s9, $0xb8;
	[tilespmem:$0x19200] =	vst v63  }
0xf4: {  	s8 =	simm.s32 @!p2 $0x8000  }
0xf5: {  	[spmem:s3] =	stream.indirect.scatter.add.f32 @!p2 [tilespmem:s8], [sflag:$0x6], $0x80, s4, s9, $0xb8;
	[tilespmem:$0x19200] =	vst v63  }
0xf6: {  	s8 =	simm.s32 @!p1 $0x4  }
0xf7: {  	_ =	swait.ge @!p1 [sflag:s8], $0x4000  }
0xf8: {  	[sflag:s8] =	ssyncset.done @!p1 $0x0  }
0xf9: {  	[sflag:s8] =	ssyncadd.s32 @!p1 $0xFFFFC000  }
0xfa: {  	s21 =	sadd.s32 s28, s5;
	p2 =	sgt.u32 s29, $0x2EC;
	_ =	swait.ge @!p1 [sflag:s8], $0x4000  }
0xfb: {  	p6 =	sgt.u32 s21, $0x30C;
	s9 =	simm.s32 @!p2 $0x0;
	[sflag:s8] =	ssyncset.done @!p1 $0x0  }
0xfc: {  	[sflag:s8] =	ssyncadd.s32 @!p1 $0xFFFFC000;
	s8 =	simm.s32 @!p2 $0xC000;
	p1 =	por p6, p6  }
0xfd: {  	[tilespmem:s8], [sflag:$0x1] =	stream.linear.gather @!p2 [hbm4b:s26+s9], $0x4000, $0x38;
	[tilespmem:$0x19200] =	vst v63  }
0xfe: {  	s8 =	simm.s32 @!p2 $0x18000;
	s10 =	simm.s32 @!p1 $0x1  }
0xff: {  	[tilespmem:s8], [sflag:$0x1] =	stream.linear.gather @!p2 [hbm4b:s25+s9], $0x80, $0x38;
	[tilespmem:$0x19200] =	vst v63  }
0x100: {  	_ =	swait.ge @!p1 [sflag:s10], $0x4000  }
0x101: {  	[sflag:s10] =	ssyncset.done @!p1 $0x0  }
0x102: {  	[sflag:s10] =	ssyncadd.s32 @!p1 $0xFFFFC000  }
0x103: {  	s26 =	sadd.s32 $0xFFFFFFC0, s21;
	_ =	swait.ge @!p1 [sflag:s10], $0x80  }
0x104: {  	s11 =	simm.s32 @!p1 $0x18000;
	s9 =	simm.s32 @!p1 $0x80;
	[sflag:s10] =	ssyncset.done @!p1 $0x0  }
0x105: {  	p2 =	sgt.u32 s26, $0x30C;
	[sflag:s10] =	ssyncadd.s32 @!p1 $0xFFFFFF80;
	s10 =	simm.s32 @!p1 $0xC000  }
0x106: {  	[spmem:s2] =	stream.indirect.scatter.add.f32 @!p1 [tilespmem:s10], [sflag:$0x4], $0x80, s11, s9, $0xb8;
	[tilespmem:$0x19200] =	vst v63  }
0x107: {  	s8 =	simm.s32 @!p2 $0x5;
	s10 =	simm.s32 @!p1 $0x8000  }
0x108: {  	[spmem:s3] =	stream.indirect.scatter.add.f32 @!p1 [tilespmem:s10], [sflag:$0x4], $0x80, s11, s9, $0xb8;
	[tilespmem:$0x19200] =	vst v63  }
0x109: {  	_ =	swait.ge @!p2 [sflag:s8], $0x4000  }
0x10a: {  	[sflag:s8] =	ssyncset.done @!p2 $0x0  }
0x10b: {  	[sflag:s8] =	ssyncadd.s32 @!p2 $0xFFFFC000  }
0x10c: {  	p3 =	sgt.u32 s21, $0x2EC;
	_ =	swait.ge @!p2 [sflag:s8], $0x4000  }
0x10d: {  	s28 =	sadd.s32 $0x20, s21;
	s10 =	sadd.s32 @!p3 $0xFFFE0000, s24;
	[sflag:s8] =	ssyncset.done @!p2 $0x0  }
0x10e: {  	s11 =	simm.s32 @!p3 $0x0;
	[sflag:s8] =	ssyncadd.s32 @!p2 $0xFFFFC000;
	s8 =	simm.s32 @!p3 $0x10000  }
0x10f: {  	[tilespmem:s8], [sflag:$0x2] =	stream.linear.gather @!p3 [hbm4b:s10+s11], $0x4000, $0x38;
	[tilespmem:$0x19200] =	vst v63  }
0x110: {  	p2 =	sgt.u32 s28, $0x30C;
	s8 =	simm.s32 @!p3 $0x18080;
	s10 =	sadd.s32 @!p3 $0xFFFFFC00, s23  }
0x111: {  	[tilespmem:s8], [sflag:$0x2] =	stream.linear.gather @!p3 [hbm4b:s10+s11], $0x80, $0x38;
	[tilespmem:$0x19200] =	vst v63  }
0x112: {  	s8 =	simm.s32 @!p2 $0x2  }
0x113: {  	_ =	swait.ge @!p2 [sflag:s8], $0x4000  }
0x114: {  	[sflag:s8] =	ssyncset.done @!p2 $0x0  }
0x115: {  	[sflag:s8] =	ssyncadd.s32 @!p2 $0xFFFFC000  }
0x116: {  	_ =	swait.ge @!p2 [sflag:s8], $0x80  }
0x117: {  	s10 =	simm.s32 @!p2 $0x10000;
	[sflag:s8] =	ssyncset.done @!p2 $0x0  }
0x118: {  	s11 =	simm.s32 @!p2 $0x80;
	[sflag:s8] =	ssyncadd.s32 @!p2 $0xFFFFFF80;
	s8 =	simm.s32 @!p2 $0x18080  }
0x119: {  	[spmem:s2] =	stream.indirect.scatter.add.f32 @!p2 [tilespmem:s10], [sflag:$0x5], $0x80, s8, s11, $0xb8;
	[tilespmem:$0x19200] =	vst v63  }
0x11a: {  	s29 =	sadd.s32 $0xFFFFFFE0, s21;
	s10 =	simm.s32 @!p2 $0x8000  }
0x11b: {  	[spmem:s3] =	stream.indirect.scatter.add.f32 @!p2 [tilespmem:s10], [sflag:$0x5], $0x80, s8, s11, $0xb8;
	[tilespmem:$0x19200] =	vst v63  }
0x11c: {  	p2 =	sgt.u32 s29, $0x30C  }
0x11d: {  	s8 =	simm.s32 @!p2 $0x6  }
0x11e: {  	_ =	swait.ge @!p2 [sflag:s8], $0x4000  }
0x11f: {  	[sflag:s8] =	ssyncset.done @!p2 $0x0  }
0x120: {  	[sflag:s8] =	ssyncadd.s32 @!p2 $0xFFFFC000  }
0x121: {  	p3 =	sgt.u32 s28, $0x2EC;
	_ =	swait.ge @!p2 [sflag:s8], $0x4000  }
0x122: {  	s4 =	sadd.s32 $0x40, s21;
	s9 =	sadd.s32 @!p3 $0xFFFF0000, s24;
	[sflag:s8] =	ssyncset.done @!p2 $0x0  }
0x123: {  	s10 =	simm.s32 @!p3 $0x0;
	[sflag:s8] =	ssyncadd.s32 @!p2 $0xFFFFC000;
	s8 =	simm.s32 @!p3 $0x14000  }
0x124: {  	[tilespmem:s8], [sflag:$0x3] =	stream.linear.gather @!p3 [hbm4b:s9+s10], $0x4000, $0x38;
	[tilespmem:$0x19200] =	vst v63  }
0x125: {  	p2 =	sgt.u32 s4, $0x30C;
	s8 =	simm.s32 @!p3 $0x18100;
	s9 =	sadd.s32 @!p3 $0xFFFFFE00, s23  }
0x126: {  	[tilespmem:s8], [sflag:$0x3] =	stream.linear.gather @!p3 [hbm4b:s9+s10], $0x80, $0x38;
	[tilespmem:$0x19200] =	vst v63  }
0x127: {  	s8 =	simm.s32 @!p2 $0x3  }
0x128: {  	_ =	swait.ge @!p2 [sflag:s8], $0x4000  }
0x129: {  	[sflag:s8] =	ssyncset.done @!p2 $0x0  }
0x12a: {  	[sflag:s8] =	ssyncadd.s32 @!p2 $0xFFFFC000  }
0x12b: {  	_ =	swait.ge @!p2 [sflag:s8], $0x80  }
0x12c: {  	s9 =	simm.s32 @!p2 $0x14000;
	[sflag:s8] =	ssyncset.done @!p2 $0x0  }
0x12d: {  	s10 =	simm.s32 @!p2 $0x80;
	[sflag:s8] =	ssyncadd.s32 @!p2 $0xFFFFFF80;
	s8 =	simm.s32 @!p2 $0x18100  }
0x12e: {  	[spmem:s2] =	stream.indirect.scatter.add.f32 @!p2 [tilespmem:s9], [sflag:$0x6], $0x80, s8, s10, $0xb8;
	[tilespmem:$0x19200] =	vst v63  }
0x12f: {  	s9 =	simm.s32 @!p2 $0x8000  }
0x130: {  	[spmem:s3] =	stream.indirect.scatter.add.f32 @!p2 [tilespmem:s9], [sflag:$0x6], $0x80, s8, s10, $0xb8;
	[tilespmem:$0x19200] =	vst v63  }
0x131: {  	s8 =	simm.s32 @!p1 $0x4  }
0x132: {  	_ =	swait.ge @!p1 [sflag:s8], $0x4000  }
0x133: {  	[sflag:s8] =	ssyncset.done @!p1 $0x0  }
0x134: {  	[sflag:s8] =	ssyncadd.s32 @!p1 $0xFFFFC000  }
0x135: {  	_ =	swait.ge @!p1 [sflag:s8], $0x4000  }
0x136: {  	p2 =	sgt.u32 s4, $0x2EC;
	[sflag:s8] =	ssyncset.done @!p1 $0x0  }
0x137: {  	s4 =	simm.s32 @!p2 $0x0;
	[sflag:s8] =	ssyncadd.s32 @!p1 $0xFFFFC000;
	s8 =	simm.s32 @!p2 $0xC000  }
0x138: {  	[tilespmem:s8], [sflag:$0x1] =	stream.linear.gather @!p2 [hbm4b:s24+s4], $0x4000, $0x38;
	[tilespmem:$0x19200] =	vst v63  }
0x139: {  	s8 =	simm.s32 @!p2 $0x18000  }
0x13a: {  	[tilespmem:s8], [sflag:$0x1] =	stream.linear.gather @!p2 [hbm4b:s23+s4], $0x80, $0x38;
	[tilespmem:$0x19200] =	vst v63  }
0x13b: {  	s9 =	rddreg [dreg:$0x8];
	s4 =	simm.s32 @!p0 $0x0;
	s8 =	simm.s32 @!p0 $0x18180  }
0x13c: {  	[tilespmem:s8], [sflag:$0x7] =	stream.linear.gather @!p0 [hbm4b:s9+s4], $0x1000, $0x38;
	[tilespmem:$0x19200] =	vst v63  }
0x13d: {  	s9 =	simm.s32 @!p0 $0x7  }
0x13e: {  	_ =	swait.ge @!p0 [sflag:s9], $0x1000  }
0x13f: {  	[sflag:s9] =	ssyncset.done @!p0 $0x0  }
0x140: {  	s10 =	simm.s32 @!p0 $0x19180;
	s11 =	rddreg [dreg:$0x9];
	[sflag:s9] =	ssyncadd.s32 @!p0 $0xFFFFF000  }
0x141: {  	[tilespmem:s10], [sflag:$0x7] =	stream.linear.gather @!p0 [hbm4b:s11+s4], $0x20, $0x38;
	[tilespmem:$0x19200] =	vst v63  }
0x142: {  	_ =	swait.ge @!p0 [sflag:s9], $0x20  }
0x143: {  	[sflag:s9] =	ssyncset.done @!p0 $0x0  }
0x144: {  	s4 =	simm.s32 @!p0 $0x20;
	[sflag:s9] =	ssyncadd.s32 @!p0 $0xFFFFFFE0  }
0x145: {  	[spmem:s2] =	stream.indirect.scatter.add.f32 @!p0 [tilespmem:s8], [sflag:$0x7], $0x80, s10, s4, $0xb8;
	[tilespmem:$0x19200] =	vst v63  }
0x146: {  	_ =	swait.ge @!p0 [sflag:s9], $0x1000  }
0x147: {  	[sflag:s9] =	ssyncset.done @!p0 $0x0  }
0x148: {  	s8 =	simm.s32 @!p0 $0x8000;
	[sflag:s9] =	ssyncadd.s32 @!p0 $0xFFFFF000  }
0x149: {  	[spmem:s3] =	stream.indirect.scatter.add.f32 @!p0 [tilespmem:s8], [sflag:$0x7], $0x80, s10, s4, $0xb8;
	[tilespmem:$0x19200] =	vst v63  }
0x14a: {  	_ =	swait.ge @!p0 [sflag:s9], $0x1000  }
0x14b: {  	[sflag:s9] =	ssyncset.done @!p0 $0x0  }
0x14c: {  	[sflag:s9] =	ssyncadd.s32 @!p0 $0xFFFFF000  }
0x14d: {  	[bflag:$0x0] =	sbarrier.arrive $0xFFFF  }
0x14e: {  	[tilespmem:s17], [sflag:$0x7] =	stream.linear.gather [spmem:s6], $0x2000, $0x38;
	[tilespmem:$0x19200] =	vst v63  }
0x14f: {  	_ =	swait.ge [sflag:s18], $0x2000  }
0x150: {  	[sflag:s18] =	ssyncset.done $0x0  }
0x151: {  	s30 =	simm.s32 $0x0;
	s31 =	rddreg [dreg:$0xa];
	[sflag:s18] =	ssyncadd.s32 $0xFFFFE000  }
0x152: {  	[hbm4b:s31+s30] =	stream.linear.scatter [tilespmem:s17], [sflag:$0x7], $0x2000, $0x38;
	[tilespmem:$0x19200] =	vst v63  }
0x153: {  	_ =	swait.ge [sflag:s18], $0x2000  }
0x154: {  	[sflag:s18] =	ssyncset.done $0x0  }
0x155: {  	[sflag:s18] =	ssyncadd.s32 $0xFFFFE000  }
0x156: {  	[tilespmem:s19], [sflag:$0x7] =	stream.linear.gather [spmem:s7], $0x2000, $0x38;
	[tilespmem:$0x19200] =	vst v63  }
0x157: {  	s22 =	sadd.s32 $0x1, s22;
	_ =	swait.ge [sflag:s18], $0x2000  }
0x158: {  	p1 =	sne.s32 s22, s14;
	[sflag:s18] =	ssyncset.done $0x0  }
.Ltmp3:
0x159: {  	[sflag:s18] =	ssyncadd.s32 $0xFFFFE000;
	(pc) =	sbr.rel @p1 .LBB2_1-.Ltmp3, $4  }
0x15a: {  	[hbm4b:s13+s30] =	stream.linear.scatter [tilespmem:s19], [sflag:$0x7], $0x2000, $0x38;
	[tilespmem:$0x19200] =	vst v63  }
0x15b: {  	_ =	swait.ge [sflag:s18], $0x2000  }
0x15c: {  	[sflag:s18] =	ssyncset.done $0x0  }
0x15d: {  	[sflag:s18] =	ssyncadd.s32 $0xFFFFE000  }
0x15e: {  	_ =	sfence.sel $0x180000  }
0x15f: {  	[bflag:$0x0] =	sbarrier.arrive $0xFFFF  }
0x160: {  	_ =	strace $0x90000047  }
0x161: {  	s0 =	stileid.u32;
	[bflag:$0x2] =	sbarrier.arrive $0xFFFF  }
0x162: {  	p0 =	sne.s32 s0, $0x0;
	s0 =	rddreg [dreg:$0x5]  }
0x163: {  	s0 =	sadd.s32 @!p0 $0x100000, s0  }
0x164: {  	[sflag:s0] =	ssyncadd.tile.s32 @!p0 $0x1;
	_ =	shalt  }
.Lfunc_end2:
_tile_overlayer_lowered:
.L_overlay_start_2:
0x165: {  	(tag) =	ssettag $0x2  }
0x166: {  	s0 =	rddreg [dreg:$0x0];
	s2 =	stileid.u32  }
0x167: {  	s1 =	rddreg [dreg:$0x1];
	p0 =	sne.s32 s2, $0x0  }
0x168: {  	s3 =	rddreg [dreg:$0x2];
	[bflag:$0x3] =	sbarrier.arrive $0xFFFF;
	s2 =	simm.s32 @!p0 $0x1C07  }
0x169: {  	[timem:s3], [sflag:s2] =	dma.local @!p0 [hbm:s0], s1  }
0x16a: {  	s0 =	simm.s32 @!p0 $0x7  }
0x16b: {  	_ =	swait.ge @!p0 [sflag:s0], s1  }
0x16c: {  	s1 =	ssub.s32 @!p0 $0x0, s1;
	[sflag:s0] =	ssyncset.done @!p0 $0x0  }
0x16d: {  	[sflag:s0] =	ssyncadd.s32 @!p0 s1  }
0x16e: {  	[bflag:$0x3] =	sbarrier.arrive $0xFFFF  }
0x16f: {  	_ =	shalt  }

// kernel: kernel.7.cloned.1.call-start
scs
__scs_entry_jumppad:
0x0: {  	(pc) =	sbr.rel $0x88, $3  }
0x1: {  	(tag) =	ssettag $0x0;
	lr =	simm.s32 $0x1  }
0x2: {  	[smem:$0x3F9F] =	sst lr;
	_ =	strace $0xD0000000  }
0x3: {  	_ = 	snop  }
0x4: {  	_ = 	snop  }
0x5: {  	_ = 	snop  }
0x6: {  	_ = 	snop  }
0x7: {  	_ = 	snop  }
__scs_overlays_trampoline_lowered:
0x8: {  	[smem:$0x3FAE] =	sst s0  }
0x9: {  	[smem:$0x3FAF] =	sst s1  }
0xa: {  	[smem:$0x3FB0] =	sst s2  }
0xb: {  	[smem:$0x3FB1] =	sst s3  }
0xc: {  	[smem:$0x3FB2] =	sst s4  }
0xd: {  	[smem:$0x3FB3] =	sst s5  }
0xe: {  	[smem:$0x3FB4] =	sst s6  }
0xf: {  	[smem:$0x3FB5] =	sst s7  }
0x10: {  	[smem:$0x3FB6] =	sst s8  }
0x11: {  	[smem:$0x3FB7] =	sst s9;
	s0 =	simm.s32 @!p0 $0x0  }
0x12: {  	s1 =	sld [smem:$0x3F9D];
	s0 =	simm.s32 @p0 $0x1  }
0x13: {  	[smem:$0x3FB8] =	sst s0;
	s0 =	simm.s32 @!p1 $0x0  }
0x14: {  	s2 =	sld [smem:$0x3F9C];
	s0 =	simm.s32 @p1 $0x1  }
0x15: {  	[smem:$0x3FB9] =	sst s0;
	s0 =	simm.s32 @!p2 $0x0  }
0x16: {  	s3 =	sld [smem:$0x3FDB];
	s0 =	simm.s32 @p2 $0x1  }
0x17: {  	s4 =	simm.s32 $0x1BF5;
	[smem:$0x3FBB] =	sst s0  }
0x18: {  	s0 =	sld [smem:$0x3F9E];
	_ =	swait.ge [sflag:s4], $0x0  }
0x19: {  	s7 =	sld [smem:$0x3F9F]  }
0x1a: {  	s8 =	sadd.s32 $0xFFFFE003, lr  }
0x1b: {  	s9 =	sadd.s32 $0xFFFFFEF7, lr;
	s5 =	simm.s32 $0xFFFFFFFF;
	p2 =	slt.u32 s8, $0xFFFFF086  }
0x1c: {  	p1 =	slt.u32 s9, $0xF7A;
	s5 =	simm.s32 @!p2 $0x0  }
0x1d: {  	s5 =	simm.s32 @p1 $0x1;
	p0 =	seq.s32 s7, s2  }
0x1e: {  	s7 =	smul.u32 @!p0 $0xF7A, s2;
	p2 =	seq.s32 @!p0 s5, $0x0  }
0x1f: {  	s9 =	smul.u32 $0xF7A, s1;
	s8 =	simm.s32 @!p0 $0x1BF5;
	p2 =	por !p2, p0  }
0x20: {  	[sflag:s8] =	ssyncset.s32 @!p0 $0xFFFFF086;
	s6 =	sadd.s32 @!p0 s3, s7;
	s7 =	simm.s32 @!p0 $0x108  }
0x21: {  	s3 =	sadd.s32 s3, s9;
	s6 =	sadd.s32 @!p0 $0x88, s6;
	s7 =	simm.s32 @p2 $0x1082  }
0x22: {  	[simem:s7], [sflag:s8] =	dma.local @!p0 [hbm:s6], $0xF7A  }
0x23: {  	s9 =	sor.u32 $0xD0000000, s2;
	s6 =	simm.s32 $0x108;
	_ =	swait.ge @!p0 [sflag:s8], $0x0  }
0x24: {  	s3 =	sadd.s32 $0x88, s3;
	s6 =	simm.s32 @!p1 $0x1082;
	[sflag:s4] =	ssyncset.s32 $0xFFFFF086  }
0x25: {  	[simem:s6], [sflag:s4] =	dma.local [hbm:s3], $0xF7A  }
0x26: {  	[smem:$0x3F9F] =	sst s1;
	(tag) =	ssettag s2;
	_ =	strace s9  }
0x27: {  	s1 =	sld [smem:$0x3FAF]  }
0x28: {  	s2 =	sld [smem:$0x3FB0]  }
0x29: {  	s4 =	sld [smem:$0x3FB2]  }
0x2a: {  	p0 =	seq.s32 s5, $0x0;
	s5 =	sld [smem:$0x3FB3]  }
0x2b: {  	s6 =	sld [smem:$0x3FB4]  }
0x2c: {  	s7 =	sld [smem:$0x3FB5]  }
0x2d: {  	s3 =	simm.s32 $0x108;
	s8 =	sld [smem:$0x3FB6]  }
0x2e: {  	s3 =	simm.s32 @!p0 $0x1082;
	s9 =	sld [smem:$0x3FB7]  }
0x2f: {  	lr =	sadd.s32 s0, s3;
	s0 =	sld [smem:$0x3FAE]  }
0x30: {  	s3 =	sld [smem:$0x3FB1]  }
0x31: {  	[smem:$0x3FBA] =	sst s10  }
0x32: {  	s10 =	sld [smem:$0x3FB8];
	_ =	sdelay $0x3  }
0x33: {  	p0 =	seq.s32 s10, $0x1;
	s10 =	sld [smem:$0x3FBA];
	_ =	sdelay $0x3  }
0x34: {  	[smem:$0x3FBA] =	sst s10  }
0x35: {  	s10 =	sld [smem:$0x3FB9];
	_ =	sdelay $0x3  }
0x36: {  	p1 =	seq.s32 s10, $0x1;
	s10 =	sld [smem:$0x3FBA];
	_ =	sdelay $0x3  }
0x37: {  	[smem:$0x3FBA] =	sst s10  }
0x38: {  	s10 =	sld [smem:$0x3FBB]  }
0x39: {  	_ = 	snop;
	(pc) =	sbr.ind lr, $3  }
0x3a: {  	_ = 	snop  }
0x3b: {  	_ = 	snop  }
0x3c: {  	p2 =	seq.s32 s10, $0x1;
	s10 =	sld [smem:$0x3FBA]  }
0x3d: {  	_ =	shalt  }
0x3e: {  	_ =	shalt  }
0x3f: {  	_ =	shalt  }
0x40: {  	_ =	shalt  }
0x41: {  	_ =	shalt  }
0x42: {  	_ =	shalt  }
0x43: {  	_ =	shalt  }
0x44: {  	_ =	shalt  }
0x45: {  	_ =	shalt  }
0x46: {  	_ =	shalt  }
0x47: {  	_ =	shalt  }
0x48: {  	_ =	shalt  }
0x49: {  	_ =	shalt  }
0x4a: {  	_ =	shalt  }
0x4b: {  	_ =	shalt  }
0x4c: {  	_ =	shalt  }
0x4d: {  	_ =	shalt  }
0x4e: {  	_ =	shalt  }
0x4f: {  	_ =	shalt  }
0x50: {  	_ =	shalt  }
0x51: {  	_ =	shalt  }
0x52: {  	_ =	shalt  }
0x53: {  	_ =	shalt  }
0x54: {  	_ =	shalt  }
0x55: {  	_ =	shalt  }
0x56: {  	_ =	shalt  }
0x57: {  	_ =	shalt  }
0x58: {  	_ =	shalt  }
0x59: {  	_ =	shalt  }
0x5a: {  	_ =	shalt  }
0x5b: {  	_ =	shalt  }
0x5c: {  	_ =	shalt  }
0x5d: {  	_ =	shalt  }
0x5e: {  	_ =	shalt  }
0x5f: {  	_ =	shalt  }
0x60: {  	_ =	shalt  }
0x61: {  	_ =	shalt  }
0x62: {  	_ =	shalt  }
0x63: {  	_ =	shalt  }
0x64: {  	_ =	shalt  }
0x65: {  	_ =	shalt  }
0x66: {  	_ =	shalt  }
0x67: {  	_ =	shalt  }
0x68: {  	_ =	shalt  }
0x69: {  	_ =	shalt  }
0x6a: {  	_ =	shalt  }
0x6b: {  	_ =	shalt  }
0x6c: {  	_ =	shalt  }
0x6d: {  	_ =	shalt  }
0x6e: {  	_ =	shalt  }
0x6f: {  	_ =	shalt  }
0x70: {  	_ =	shalt  }
0x71: {  	_ =	shalt  }
0x72: {  	_ =	shalt  }
0x73: {  	_ =	shalt  }
0x74: {  	_ =	shalt  }
0x75: {  	_ =	shalt  }
0x76: {  	_ =	shalt  }
0x77: {  	_ =	shalt  }
0x78: {  	_ =	shalt  }
0x79: {  	_ =	shalt  }
0x7a: {  	_ =	shalt  }
0x7b: {  	_ =	shalt  }
0x7c: {  	_ =	shalt  }
0x7d: {  	_ =	shalt  }
0x7e: {  	_ =	shalt  }
0x7f: {  	_ =	shalt  }
0x80: {  	_ =	shalt  }
0x81: {  	_ =	shalt  }
0x82: {  	_ =	shalt  }
0x83: {  	_ =	shalt  }
0x84: {  	_ =	shalt  }
0x85: {  	_ =	shalt  }
0x86: {  	_ =	shalt  }
0x87: {  	_ =	shalt  }
.Lfunc_end0:
.L_simem_size_0:
called_computation.1_lowered:
.L_overlay_start_0:
0x88: {  	s2 =	sld [smem:$0x3FD9]  }
0x89: {  	s3 =	sld [smem:$0x3FFE];
	_ =	sdelay $0x1  }
0x8a: {  	s1 =	srdreg.scid  }
0x8b: {  	s0 =	sand.u32 $0x1, s1  }
0x8c: {  	s17 =	sshll.u32 s0, $0xA;
	s2 =	sadd.s32 s3, s2  }
0x8d: {  	s2 =	sadd.s32 s2, s17  }
0x8e: {  	[smem:$0x3FC6] =	sst s2  }
0x8f: {  	_ = 	snop  }
0x90: {  	s2 =	sld [smem:$0x3FC9]  }
0x91: {  	s18 =	sld [smem:$0x3FC8]  }
0x92: {  	s4 =	sld [smem:$0x3FD0];
	(tm) =	ssettm $0x1  }
0x93: {  	s5 =	sld [smem:$0x3FFB];
	_ =	sdelay $0x3  }
0x94: {  	_ =	strace s5  }
0x95: {  	s5 =	sld [smem:$0x3FFC];
	_ =	sdelay $0x3  }
0x96: {  	_ =	strace s5  }
0x97: {  	s5 =	sld [smem:$0x3FFD];
	_ =	sdelay $0x3  }
0x98: {  	_ =	strace s5  }
0x99: {  	_ =	strace $0x8FFFFFFF  }
0x9a: {  	s19 =	sld [smem:$0x3FDB];
	_ =	sdelay $0x1  }
0x9b: {  	s6 =	simm.s32 $_scs_section_size  }
0x9c: {  	s7 =	simm.s32 $_size__tile_overlayer_lowered;
	s8 =	simm.s32 $_tile_overlayer_lowered  }
0x9d: {  	s22 =	simm.s32 $0x1BFF;
	s21 =	sshll.u32 s8, $0x1;
	s5 =	sadd.s32 s6, s19  }
0x9e: {  	s9 =	simm.s32 $0x0;
	s20 =	sshll.u32 s7, $0x1;
	s7 =	sadd.s32 s21, s5  }
0x9f: {  	[timem:s9], [sflag:s22] =	dma.local [hbm:s7], s20  }
0xa0: {  	_ =	swait.ge [sflag:s22], s20  }
0xa1: {  	s6 =	ssub.s32 $0x0, s20;
	[sflag:s22] =	ssyncset.done $0x0  }
0xa2: {  	[sflag:s22] =	ssyncadd.s32 s6;
	_ =	sdelay $0x1  }
0xa3: {  	s23 =	simm.s32 $0x1B8B  }
0xa4: {  	_ =	swait.ge [sflag:s23], $0x1  }
0xa5: {  	[sflag:s23] =	ssyncset.done $0x0  }
0xa6: {  	s25 =	simm.s32 $0x1B8E;
	s24 =	sld [smem:$0x3FFE];
	[sflag:s23] =	ssyncadd.s32 $0xFFFFFFFF  }
0xa7: {  	s26 =	simm.s32 $execute0_lowered;
	[smem:$0x3FD2] =	sst s25  }
0xa8: {  	s7 =	sshll.u32 s26, $0x1;
	_ =	strace $0x80000049;
	[dreg:$0x1] =	wrdreg $0xFFFFFFFF  }
0xa9: {  	s28 =	simm.s32 $_size_execute0_lowered;
	s5 =	sadd.s32 s5, s7;
	[dreg:$0x0] =	wrdreg $0x0  }
0xaa: {  	s7 =	sshll.u32 s28, $0x1;
	[dreg:$0x2] =	wrdreg s5  }
0xab: {  	[dreg:$0x3] =	wrdreg s7  }
0xac: {  	[dreg:$0x4] =	wrdreg $0xC0  }
0xad: {  	_ =	task [dreg:s9], $0x5FFFF  }
0xae: {  	[dreg:$0x1] =	wrdreg $0xFFFFFFFF  }
0xaf: {  	[dreg:$0x0] =	wrdreg $0x60  }
0xb0: {  	[dreg:$0x2] =	wrdreg s2  }
0xb1: {  	[dreg:$0x3] =	wrdreg s18  }
0xb2: {  	[dreg:$0x4] =	wrdreg s24  }
0xb3: {  	[dreg:$0x5] =	wrdreg s4  }
0xb4: {  	[dreg:$0x6] =	wrdreg $0x0  }
0xb5: {  	[dreg:$0x7] =	wrdreg $0x9  }
0xb6: {  	_ =	task.clear_ibuf [dreg:s9], $0x8FFFF;
	_ =	strace $0x90000049  }
0xb7: {  	s29 =	simm.s32 $0x9;
	_ =	strace $0x8000004B  }
0xb8: {  	_ =	swait.ge [sflag:s29], $0x1  }
0xb9: {  	[sflag:s29] =	ssyncadd.s32 $0xFFFFFFFF  }
0xba: {  	_ =	strace $0x9000004B  }
0xbb: {  	_ =	sfence  }
0xbc: {  	s30 =	sld [smem:$0x0];
	_ =	sdelay $0x2  }
0xbd: {  	s31 =	sshll.u32 s1, $0xD;
	s1 =	sshrl.u32 s1, $0x2  }
0xbe: {  	s3 =	sand.u32 $0x4000, s31;
	s1 =	sadd.s32 s1, s30  }
0xbf: {  	s0 =	sor.u32 s3, s0;
	s1 =	sshll.u32 s1, $0x11  }
0xc0: {  	s0 =	sor.u32 s1, s0  }
0xc1: {  	s0 =	sadd.s32 $0x8F2B, s0  }
0xc2: {  	[sflag:s0] =	ssyncadd.remote.s32 $0x1  }
0xc3: {  	_ =	sfence.sel $0xFFFF  }
0xc4: {  	[dreg:$0x0] =	wrdreg $0xFFFFFFFF;
	(pc) =	sbr.abs _section_cstart, $3  }
0xc5: {  	[dreg:$0x1] =	wrdreg $0xFFFFFFFF  }
0xc6: {  	_ =	task.clear_ibuf [dreg:s9], $0x2FFFF;
	_ =	strace $0x9FFFFFFF  }
0xc7: {  	(tm) =	ssettm $0x7FFFFFFF  }
tec
execute0_lowered:
.L_overlay_start_1:
0x0: {  	(tag) =	ssettag $0x1  }
0x1: {  	s0 =	rddreg [dreg:$0x0]  }
0x2: {  	s3 =	rddreg [dreg:$0x1]  }
0x3: {  	s4 =	rddreg [dreg:$0x2]  }
0x4: {  	s15 =	rddreg [dreg:$0x3]  }
0x5: {  	s1 =	rddreg [dreg:$0x4];
	s2 =	simm.s32 $0x0  }
0x6: {  	s5 =	srdreg.scid;
	s18 =	stileid.u32;
	s28 =	simm.s32 $0x80  }
0x7: {  	s29 =	simm.s32 $0x16100;
	s30 =	simm.s32 $0x12000;
	s31 =	simm.s32 $0x5  }
0x8: {  	[smem:$0x7FF] =	sst s2;
	s16 =	sand.u32 $0x1, s5;
	s19 =	sadd.s32 $0xC00, s4  }
0x9: {  	s7 =	sadd.s32 $0x8C00, s4;
	s8 =	sshll.u32 s18, $0xA;
	s21 =	sshll.u32 s18, $0x1  }
0xa: {  	s25 =	sshll.u32 s18, $0xD;
	s11 =	sadd.s32 $0x186800, s0;
	s12 =	sadd.s32 $0x30D0, s3  }
0xb: {  	s13 =	sadd.s32 $0x186800, s15;
	s17 =	sshll.u32 s18, $0xC;
	s18 =	sshll.u32 s18, $0x5  }
0xc: {  	_ =	strace $0x8000004A;
	s6 =	ssub.s32 $0x2, s16;
	s9 =	sor.u32 $0x4000, s8  }
0xd: {  	s21 =	sor.u32 s16, s21;
	s22 =	sadd.s32 s19, s8;
	s24 =	sadd.s32 s7, s8  }
0xe: {  	s8 =	sadd.s32 s25, s1;
	s15 =	sadd.s32 s17, s15;
	[dreg:$0x6] =	wrdreg s22  }
0xf: {  	s20 =	sshrl.u32 s6, $0x1;
	s23 =	sadd.s32 s19, s9;
	[dreg:$0x8] =	wrdreg s24  }
0x10: {  	s7 =	sadd.s32 s7, s9;
	s26 =	sshll.u32 s21, $0xB;
	s10 =	sshll.u32 s21, $0x4  }
0x11: {  	s19 =	sshll.u32 s16, $0xB;
	s16 =	sshll.u32 s16, $0x4;
	p0 =	sne.s32 s21, $0x1F  }
0x12: {  	s14 =	ssub.s32 s6, s20;
	[dreg:$0x7] =	wrdreg s23;
	s9 =	sadd.s32 s0, s26  }
.Ltmp0:
0x13: {  	s10 =	sadd.s32 s3, s10;
	s3 =	sadd.s32 s18, s3;
	(pc) =	sbr.rel .LBB2_1-.Ltmp0, $4  }
0x14: {  	s15 =	sadd.s32 s19, s15;
	s0 =	sadd.s32 s17, s0;
	s23 =	sor.u32 $0x40, s21  }
0x15: {  	s20 =	simm.s32 $0xA;
	s26 =	simm.s32 $0x3;
	s14 =	smax.u32 s14, $0x1  }
0x16: {  	s3 =	sadd.s32 s16, s3;
	s18 =	sadd.s32 s19, s0;
	s19 =	simm.s32 $0x2000  }
0x17: {  	s0 =	simm.s32 $0xE000;
	s17 =	sadd.s32 $0x600, s3;
	s3 =	simm.s32 $0x0  }
.LBB2_9:
0x18: {  	s4 =	simm.s32 @!p0 $0x0;
	s5 =	simm.s32 @!p0 $0x16180;
	s6 =	simm.s32 @!p0 $0xA  }
0x19: {  	[tilespmem:s5], [sflag:$0xA] =	stream.linear.gather @!p0 [hbm4b:s11+s4], $0x1000, $0x38;
	[tilespmem:$0x17200] =	vst v63  }
0x1a: {  	_ =	swait.ge @!p0 [sflag:s6], $0x1000  }
0x1b: {  	[sflag:s6] =	ssyncset.done @!p0 $0x0  }
0x1c: {  	s16 =	simm.s32 @!p0 $0x17180;
	[sflag:s6] =	ssyncadd.s32 @!p0 $0xFFFFF000  }
0x1d: {  	[tilespmem:s16], [sflag:$0xA] =	stream.linear.gather @!p0 [hbm4b:s12+s4], $0x20, $0x38;
	[tilespmem:$0x17200] =	vst v63  }
0x1e: {  	_ =	swait.ge @!p0 [sflag:s6], $0x20  }
0x1f: {  	[sflag:s6] =	ssyncset.done @!p0 $0x0  }
0x20: {  	s21 =	simm.s32 @!p0 $0x20;
	[sflag:s6] =	ssyncadd.s32 @!p0 $0xFFFFFFE0  }
0x21: {  	[tilespmem:s5], [sflag:$0xA] =	stream.indirect.gather.add.f32 @!p0 [spmem:s1], $0x80, s16, s21, $0xb8;
	[tilespmem:$0x17200] =	vst v63  }
0x22: {  	s3 =	sadd.s32 $0x1, s3;
	_ =	swait.ge @!p0 [sflag:s6], $0x1000  }
0x23: {  	p1 =	sne.s32 s3, s14;
	[sflag:s6] =	ssyncset.done @!p0 $0x0  }
.Ltmp1:
0x24: {  	[sflag:s6] =	ssyncadd.s32 @!p0 $0xFFFFF000;
	(pc) =	sbr.rel @!p1 .LBB2_10-.Ltmp1, $4  }
0x25: {  	[hbm4b:s13+s4] =	stream.linear.scatter @!p0 [tilespmem:s5], [sflag:$0xA], $0x1000, $0x38;
	[tilespmem:$0x17200] =	vst v63  }
0x26: {  	_ =	swait.ge @!p0 [sflag:s6], $0x1000  }
0x27: {  	[sflag:s6] =	ssyncset.done @!p0 $0x0  }
0x28: {  	[sflag:s6] =	ssyncadd.s32 @!p0 $0xFFFFF000  }
.LBB2_1:
0x29: {  	s4 =	rddreg [dreg:$0x6]  }
0x2a: {  	[tilespmem:s19], [sflag:$0xA] =	stream.linear.gather [hbm4b:s4+s2], $0x2000, $0x38;
	[tilespmem:$0x17200] =	vst v63  }
0x2b: {  	_ =	swait.ge [sflag:s20], $0x2000  }
0x2c: {  	[sflag:s20] =	ssyncset.done $0x0  }
0x2d: {  	s5 =	simm.s32 $0x4000;
	s21 =	rddreg [dreg:$0x7];
	[sflag:s20] =	ssyncadd.s32 $0xFFFFE000  }
0x2e: {  	[tilespmem:s5], [sflag:$0xA] =	stream.linear.gather [hbm4b:s21+s2], $0x2000, $0x38;
	[tilespmem:$0x17200] =	vst v63  }
0x2f: {  	_ =	swait.ge [sflag:s20], $0x2000  }
0x30: {  	[sflag:s20] =	ssyncset.done $0x0  }
0x31: {  	s24 =	simm.s32 $0x6000;
	s22 =	rddreg [dreg:$0x8];
	[sflag:s20] =	ssyncadd.s32 $0xFFFFE000  }
0x32: {  	[tilespmem:s24], [sflag:$0xA] =	stream.linear.gather [hbm4b:s22+s2], $0x2000, $0x38;
	[tilespmem:$0x17200] =	vst v63  }
0x33: {  	_ =	swait.ge [sflag:s20], $0x2000  }
0x34: {  	[sflag:s20] =	ssyncset.done $0x0  }
0x35: {  	s25 =	simm.s32 $0x8000;
	[sflag:s20] =	ssyncadd.s32 $0xFFFFE000  }
0x36: {  	[tilespmem:s25], [sflag:$0xA] =	stream.linear.gather [hbm4b:s7+s2], $0x2000, $0x38;
	[tilespmem:$0x17200] =	vst v63  }
0x37: {  	_ =	swait.ge [sflag:s20], $0x2000  }
0x38: {  	[sflag:s20] =	ssyncset.done $0x0  }
0x39: {  	s22 =	simm.s32 $0x0;
	[sflag:s20] =	ssyncadd.s32 $0xFFFFE000  }
0x3a: {  	v0 =	vld [tilespmem:s22+$0x6000]  }
0x3b: {  	v1 =	vld [tilespmem:s22+$0x8000];
	_ =	sdelay $0x1  }
0x3c: {  	v2 =	vld [tilespmem:s22+$0x4000]  }
0x3d: {  	v3 =	vld [tilespmem:s22+$0x4010]  }
0x3e: {  	v4 =	vld [tilespmem:s22+$0x4020]  }
0x3f: {  	v6 =	vld [tilespmem:s22+$0x4030];
	v0 =	vadd.f32 v1, v0  }
0x40: {  	v7 =	vld [tilespmem:s22+$0x4040]  }
0x41: {  	v8 =	vld [tilespmem:s22+$0x4050];
	v0 =	vmax.f32 v0, $1.000000000e+00  }
0x42: {  	v9 =	vld [tilespmem:s22+$0x4060];
	(erf) = vrcp.f32 v0  }
0x43: {  	s21 =	simm.s32 $0x80;
	v10 =	vld [tilespmem:s22+$0x4070]  }
0x44: {  	v11 =	vld [tilespmem:s21+$0x6000]  }
0x45: {  	v12 =	vld [tilespmem:s21+$0x8000]  }
0x46: {  	v0 =	vld [tilespmem:s22+$0x2000]  }
0x47: {  	v1 =	vld [tilespmem:s22+$0x2010]  }
0x48: {  	v13 =	vld [tilespmem:s22+$0x2020]  }
0x49: {  	v14 =	vld [tilespmem:s22+$0x2030]  }
0x4a: {  	v15 =	vld [tilespmem:s22+$0x2040]  }
0x4b: {  	v16 =	vld [tilespmem:s22+$0x2050];
	v0 =	vadd.f32 v2, v0;
	v2 =	vpop (erf)  }
0x4c: {  	v17 =	vld [tilespmem:s22+$0x2060];
	v1 =	vadd.f32 v3, v1;
	v5 =	vxor.u32 $0x80000000, v2  }
0x4d: {  	v18 =	vld [tilespmem:s22+$0x2070];
	v4 =	vadd.f32 v4, v13;
	v3 =	vmul.f32 v5, v0  }
0x4e: {  	v6 =	vadd.f32 v6, v14;
	v2 =	vld [tilespmem:s21+$0x4000];
	v61 =	vmul.f32 v5, v1  }
0x4f: {  	v7 =	vadd.f32 v7, v15;
	v0 =	vld [tilespmem:s21+$0x4010];
	v4 =	vmul.f32 v5, v4;
	[tilespmem:s22+$0x2000] =	vst v3  }
0x50: {  	v63 =	vadd.f32 v8, v16;
	v62 =	vmul.f32 v5, v6;
	v1 =	vld [tilespmem:s21+$0x4020];
	[tilespmem:s22+$0x2010] =	vst v61  }
0x51: {  	v6 =	vadd.f32 v12, v11;
	v8 =	vmul.f32 v5, v7;
	v7 =	vadd.f32 v9, v17;
	v3 =	vld [tilespmem:s21+$0x4030];
	[tilespmem:s22+$0x2020] =	vst v4  }
0x52: {  	s16 =	simm.s32 $0x400;
	v10 =	vadd.f32 v10, v18;
	v9 =	vmul.f32 v5, v63;
	v4 =	vld [tilespmem:s21+$0x4040];
	[tilespmem:s22+$0x2030] =	vst v62  }
.LBB2_2:
0x53: {  	p1 =	sne.s32 s16, $0x7E00;
	v6 =	vmax.f32 v6, $1.000000000e+00;
	v11 =	vld [tilespmem:s21+$0x4050];
	[tilespmem:s22+$0x2040] =	vst v8;
	v7 =	vmul.f32 v5, v7  }
0x54: {  	v12 =	vld [tilespmem:s21+$0x4060];
	(erf) = vrcp.f32 v6;
	[tilespmem:s22+$0x2050] =	vst v9;
	v5 =	vmul.f32 v5, v10  }
0x55: {  	s24 =	sshra.s32 s16, $0x2;
	v10 =	vld [tilespmem:s21+$0x4070];
	[tilespmem:s22+$0x2060] =	vst v7  }
0x56: {  	v6 =	vld [tilespmem:s24+$0x6000];
	[tilespmem:s22+$0x2070] =	vst v5;
	s22 =	smov.u32 s21;
	s21 =	smov.u32 s24  }
0x57: {  	v7 =	vld [tilespmem:s21+$0x8000]  }
0x58: {  	v5 =	vld [tilespmem:s22+$0x2000]  }
0x59: {  	v8 =	vld [tilespmem:s22+$0x2010]  }
0x5a: {  	v9 =	vld [tilespmem:s22+$0x2020]  }
0x5b: {  	v13 =	vld [tilespmem:s22+$0x2030]  }
0x5c: {  	v14 =	vld [tilespmem:s22+$0x2040]  }
0x5d: {  	v2 =	vadd.f32 v2, v5;
	v15 =	vld [tilespmem:s22+$0x2050];
	v5 =	vpop (erf)  }
0x5e: {  	v5 =	vxor.u32 $0x80000000, v5;
	v0 =	vadd.f32 v0, v8;
	v16 =	vld [tilespmem:s22+$0x2060]  }
0x5f: {  	v8 =	vmul.f32 v5, v2;
	v1 =	vadd.f32 v1, v9;
	v17 =	vld [tilespmem:s22+$0x2070]  }
.Ltmp2:
0x60: {  	v2 =	vld [tilespmem:s21+$0x4000];
	v9 =	vmul.f32 v5, v0;
	v3 =	vadd.f32 v3, v13;
	(pc) =	sbr.rel @p1 .LBB2_2-.Ltmp2, $4  }
0x61: {  	v0 =	vld [tilespmem:s21+$0x4010];
	[tilespmem:s22+$0x2000] =	vst v8;
	v8 =	vmul.f32 v5, v1;
	v4 =	vadd.f32 v4, v14  }
0x62: {  	v1 =	vld [tilespmem:s21+$0x4020];
	[tilespmem:s22+$0x2010] =	vst v9;
	v9 =	vmul.f32 v5, v3;
	v11 =	vadd.f32 v11, v15  }
0x63: {  	v6 =	vadd.f32 v7, v6;
	v3 =	vld [tilespmem:s21+$0x4030];
	[tilespmem:s22+$0x2020] =	vst v8;
	v8 =	vmul.f32 v5, v4;
	v7 =	vadd.f32 v12, v16  }
0x64: {  	s16 =	sadd.s32 $0x200, s16;
	v4 =	vld [tilespmem:s21+$0x4040];
	[tilespmem:s22+$0x2030] =	vst v9;
	v9 =	vmul.f32 v5, v11;
	v10 =	vadd.f32 v10, v17  }
0x65: {  	v6 =	vmax.f32 v6, $1.000000000e+00  }
0x66: {  	v11 =	vld [tilespmem:s21+$0x4050];
	[tilespmem:s22+$0x2040] =	vst v8;
	v7 =	vmul.f32 v5, v7;
	(erf) = vrcp.f32 v6  }
0x67: {  	v8 =	vld [tilespmem:s21+$0x4060];
	[tilespmem:s22+$0x2050] =	vst v9;
	v49 =	vmul.f32 v5, v10  }
0x68: {  	v50 =	vld [tilespmem:s21+$0x4070];
	[tilespmem:s22+$0x2060] =	vst v7  }
0x69: {  	[tilespmem:s22+$0x2070] =	vst v49  }
0x6a: {  	v5 =	vld [tilespmem:s21+$0x2000]  }
0x6b: {  	v7 =	vld [tilespmem:s21+$0x2010]  }
0x6c: {  	v9 =	vld [tilespmem:s21+$0x2020]  }
0x6d: {  	v51 =	vld [tilespmem:s21+$0x2030]  }
0x6e: {  	v12 =	vld [tilespmem:s21+$0x2040]  }
0x6f: {  	v52 =	vld [tilespmem:s21+$0x2050];
	v2 =	vadd.f32 v2, v5;
	v13 =	vpop (erf)  }
0x70: {  	v53 =	vld [tilespmem:s21+$0x2060];
	v0 =	vadd.f32 v0, v7;
	v13 =	vxor.u32 $0x80000000, v13  }
0x71: {  	v54 =	vld [tilespmem:s21+$0x2070];
	v1 =	vadd.f32 v1, v9;
	v2 =	vmul.f32 v13, v2  }
0x72: {  	v3 =	vadd.f32 v3, v51;
	v0 =	vmul.f32 v13, v0  }
0x73: {  	v55 =	vadd.f32 v4, v12;
	v1 =	vmul.f32 v13, v1;
	[tilespmem:s21+$0x2000] =	vst v2  }
0x74: {  	v57 =	vadd.f32 v11, v52;
	v56 =	vmul.f32 v13, v3;
	[tilespmem:s21+$0x2010] =	vst v0  }
0x75: {  	v59 =	vadd.f32 v8, v53;
	v58 =	vmul.f32 v13, v55;
	[tilespmem:s21+$0x2020] =	vst v1  }
0x76: {  	v61 =	vadd.f32 v50, v54;
	v60 =	vmul.f32 v13, v57;
	[tilespmem:s21+$0x2030] =	vst v56  }
0x77: {  	v62 =	vmul.f32 v13, v59;
	[tilespmem:s21+$0x2040] =	vst v58  }
0x78: {  	v63 =	vmul.f32 v13, v61;
	[tilespmem:s21+$0x2050] =	vst v60  }
0x79: {  	[tilespmem:s21+$0x2060] =	vst v62  }
0x7a: {  	[tilespmem:s21+$0x2070] =	vst v63  }
0x7b: {  	[spmem:s8] =	stream.linear.scatter [tilespmem:s19], [sflag:$0xA], $0x2000, $0x38;
	[tilespmem:$0x17200] =	vst v63  }
0x7c: {  	_ =	swait.ge [sflag:s20], $0x2000  }
0x7d: {  	[sflag:s20] =	ssyncset.done $0x0  }
.Ltmp3:
0x7e: {  	[sflag:s20] =	ssyncadd.s32 $0xFFFFE000;
	(pc) =	sbr.rel .LBB2_4-.Ltmp3, $4  }
0x7f: {  	s4 =	simm.s32 $0xA000;
	s21 =	simm.s32 $0x0;
	[bflag:$0x0] =	sbarrier.arrive $0xFFFF  }
0x80: {  	[tilespmem:s4], [sflag:$0x1] =	stream.linear.gather [hbm4b:s9+s21], $0x4000, $0x38;
	[tilespmem:$0x17200] =	vst v63  }
0x81: {  	s25 =	simm.s32 $0x16000;
	s16 =	smov.u32 s23;
	s22 =	smov.u32 s17  }
0x82: {  	[tilespmem:s25], [sflag:$0x1] =	stream.linear.gather [hbm4b:s10+s21], $0x80, $0x38;
	[tilespmem:$0x17200] =	vst v63  }
.LBB2_5:
0x83: {  	_ =	swait.ge [sflag:s26], $0x4000  }
0x84: {  	[sflag:s26] =	ssyncset.done $0x0  }
0x85: {  	[sflag:s26] =	ssyncadd.s32 $0xFFFFC000  }
0x86: {  	_ =	swait.ge [sflag:s26], $0x80  }
0x87: {  	[sflag:s26] =	ssyncset.done $0x0  }
0x88: {  	[sflag:s26] =	ssyncadd.s32 $0xFFFFFF80  }
0x89: {  	[tilespmem:s30], [sflag:$0x6] =	stream.indirect.gather.add.f32 [spmem:s1], $0x80, s29, s28, $0xb8;
	[tilespmem:$0x17200] =	vst v63  }
.LBB2_7:
0x8a: {  	_ =	swait.ge [sflag:s31], $0x4000  }
0x8b: {  	s4 =	sadd.s32 s21, s15;
	[sflag:s31] =	ssyncset.done $0x0  }
0x8c: {  	s4 =	sadd.s32 $0x10000, s4;
	[sflag:s31] =	ssyncadd.s32 $0xFFFFC000  }
0x8d: {  	[hbm4b:s4+s2] =	stream.linear.scatter [tilespmem:s0], [sflag:$0x8], $0x4000, $0x38;
	[tilespmem:$0x17200] =	vst v63  }
.LBB2_8:
0x8e: {  	s4 =	simm.s32 @!p1 $0x7  }
0x8f: {  	_ =	swait.ge @!p1 [sflag:s4], $0x4000  }
0x90: {  	p2 =	sgt.u32 s16, $0x2EC;
	[sflag:s4] =	ssyncset.done @!p1 $0x0  }
0x91: {  	[sflag:s4] =	ssyncadd.s32 @!p1 $0xFFFFC000;
	s4 =	sadd.s32 @!p2 s21, s18;
	s21 =	sadd.s32 $0x30000, s21  }
0x92: {  	s5 =	simm.s32 @!p2 $0x0;
	p1 =	sne.s32 s21, $0x1B0000  }
.Ltmp4:
0x93: {  	s6 =	simm.s32 @!p2 $0xA000;
	s4 =	sadd.s32 @!p2 $0x30000, s4;
	(pc) =	sbr.rel @!p1 .LBB2_9-.Ltmp4, $4  }
0x94: {  	[tilespmem:s6], [sflag:$0x1] =	stream.linear.gather @!p2 [hbm4b:s4+s5], $0x4000, $0x38;
	[tilespmem:$0x17200] =	vst v63  }
0x95: {  	s4 =	simm.s32 @!p2 $0x16000  }
0x96: {  	[tilespmem:s4], [sflag:$0x1] =	stream.linear.gather @!p2 [hbm4b:s22+s5], $0x80, $0x38;
	[tilespmem:$0x17200] =	vst v63  }
0x97: {  	s16 =	sadd.s32 $0x60, s16;
	s22 =	sadd.s32 $0x600, s22  }
.LBB2_4:
0x98: {  	s24 =	sadd.s32 $0xFFFFFFC0, s16  }
0x99: {  	p1 =	sgt.u32 s24, $0x30C  }
0x9a: {  	s25 =	simm.s32 @!p1 $0x1  }
0x9b: {  	_ =	swait.ge @!p1 [sflag:s25], $0x4000  }
0x9c: {  	[sflag:s25] =	ssyncset.done @!p1 $0x0  }
0x9d: {  	[sflag:s25] =	ssyncadd.s32 @!p1 $0xFFFFC000  }
0x9e: {  	s6 =	sadd.s32 $0xFFFFFFA0, s16;
	_ =	swait.ge @!p1 [sflag:s25], $0x80  }
0x9f: {  	p2 =	sgt.u32 s6, $0x30C;
	s4 =	simm.s32 @!p1 $0x16000;
	[sflag:s25] =	ssyncset.done @!p1 $0x0  }
0xa0: {  	s5 =	simm.s32 @!p1 $0xA000;
	[sflag:s25] =	ssyncadd.s32 @!p1 $0xFFFFFF80;
	s25 =	simm.s32 @!p1 $0x80  }
0xa1: {  	[tilespmem:s5], [sflag:$0x4] =	stream.indirect.gather.add.f32 @!p1 [spmem:s1], $0x80, s4, s25, $0xb8;
	[tilespmem:$0x17200] =	vst v63  }
0xa2: {  	s4 =	simm.s32 @!p2 $0x6  }
0xa3: {  	_ =	swait.ge @!p2 [sflag:s4], $0x4000  }
0xa4: {  	[sflag:s4] =	ssyncset.done @!p2 $0x0  }
0xa5: {  	[sflag:s4] =	ssyncadd.s32 @!p2 $0xFFFFC000;
	s4 =	sadd.s32 @!p2 s21, s15  }
0xa6: {  	s6 =	simm.s32 @!p2 $0x12000;
	s25 =	simm.s32 @!p2 $0x0;
	s4 =	sadd.s32 @!p2 $0xFFFF0000, s4  }
0xa7: {  	[hbm4b:s4+s25] =	stream.linear.scatter @!p2 [tilespmem:s6], [sflag:$0x9], $0x4000, $0x38;
	[tilespmem:$0x17200] =	vst v63  }
0xa8: {  	s25 =	sadd.s32 $0xFFFFFF80, s16  }
0xa9: {  	p3 =	sgt.u32 s25, $0x30C  }
0xaa: {  	s4 =	simm.s32 @!p3 $0x8  }
0xab: {  	_ =	swait.ge @!p3 [sflag:s4], $0x4000  }
0xac: {  	p4 =	sgt.u32 s24, $0x2EC;
	[sflag:s4] =	ssyncset.done @!p3 $0x0  }
0xad: {  	[sflag:s4] =	ssyncadd.s32 @!p3 $0xFFFFC000;
	s4 =	sadd.s32 @!p4 s21, s18  }
0xae: {  	s24 =	simm.s32 @!p4 $0xE000;
	s6 =	simm.s32 @!p4 $0x0;
	s4 =	sadd.s32 @!p4 $0x10000, s4  }
0xaf: {  	[tilespmem:s24], [sflag:$0x2] =	stream.linear.gather @!p4 [hbm4b:s4+s6], $0x4000, $0x38;
	[tilespmem:$0x17200] =	vst v63  }
0xb0: {  	s4 =	sadd.s32 @!p4 $0xFFFFFC00, s22;
	s24 =	simm.s32 @!p4 $0x16080  }
0xb1: {  	[tilespmem:s24], [sflag:$0x2] =	stream.linear.gather @!p4 [hbm4b:s4+s6], $0x80, $0x38;
	[tilespmem:$0x17200] =	vst v63  }
0xb2: {  	s4 =	sadd.s32 $0xFFFFFFE0, s16  }
0xb3: {  	p3 =	sgt.u32 s4, $0x30C  }
0xb4: {  	s6 =	simm.s32 @!p3 $0x2  }
0xb5: {  	_ =	swait.ge @!p3 [sflag:s6], $0x4000  }
0xb6: {  	[sflag:s6] =	ssyncset.done @!p3 $0x0  }
0xb7: {  	[sflag:s6] =	ssyncadd.s32 @!p3 $0xFFFFC000  }
0xb8: {  	_ =	swait.ge @!p3 [sflag:s6], $0x80  }
0xb9: {  	s24 =	simm.s32 @!p3 $0x16080;
	[sflag:s6] =	ssyncset.done @!p3 $0x0  }
0xba: {  	s25 =	simm.s32 @!p3 $0xE000;
	[sflag:s6] =	ssyncadd.s32 @!p3 $0xFFFFFF80;
	s6 =	simm.s32 @!p3 $0x80  }
0xbb: {  	[tilespmem:s25], [sflag:$0x5] =	stream.indirect.gather.add.f32 @!p3 [spmem:s1], $0x80, s24, s6, $0xb8;
	[tilespmem:$0x17200] =	vst v63  }
0xbc: {  	s6 =	simm.s32 @!p1 $0x4  }
0xbd: {  	_ =	swait.ge @!p1 [sflag:s6], $0x4000  }
0xbe: {  	[sflag:s6] =	ssyncset.done @!p1 $0x0  }
0xbf: {  	s24 =	simm.s32 @!p1 $0x0;
	[sflag:s6] =	ssyncadd.s32 @!p1 $0xFFFFC000;
	s6 =	sadd.s32 @!p1 s21, s15  }
0xc0: {  	[hbm4b:s6+s24] =	stream.linear.scatter @!p1 [tilespmem:s5], [sflag:$0x7], $0x4000, $0x38;
	[tilespmem:$0x17200] =	vst v63  }
0xc1: {  	s5 =	simm.s32 @!p2 $0x9  }
0xc2: {  	_ =	swait.ge @!p2 [sflag:s5], $0x4000  }
0xc3: {  	[sflag:s5] =	ssyncset.done @!p2 $0x0  }
0xc4: {  	p3 =	sgt.u32 s4, $0x2EC;
	[sflag:s5] =	ssyncadd.s32 @!p2 $0xFFFFC000;
	p2 =	sgt.u32 s16, $0x30C  }
.Ltmp5:
0xc5: {  	s4 =	sadd.s32 @!p3 s21, s18;
	(pc) =	sbr.rel @!p2 .LBB2_5-.Ltmp5, $4  }
0xc6: {  	s4 =	sadd.s32 @!p3 $0x20000, s4;
	s6 =	simm.s32 @!p3 $0x12000;
	s5 =	simm.s32 @!p3 $0x0  }
0xc7: {  	[tilespmem:s6], [sflag:$0x3] =	stream.linear.gather @!p3 [hbm4b:s4+s5], $0x4000, $0x38;
	[tilespmem:$0x17200] =	vst v63  }
0xc8: {  	s4 =	sadd.s32 @!p3 $0xFFFFFE00, s22;
	s6 =	simm.s32 @!p3 $0x16100  }
0xc9: {  	[tilespmem:s6], [sflag:$0x3] =	stream.linear.gather @!p3 [hbm4b:s4+s5], $0x80, $0x38;
	[tilespmem:$0x17200] =	vst v63  }
0xca: {  	p2 =	sgt.u32 s16, $0x32C  }
.Ltmp6:
0xcb: {  	_ = 	snop;
	(pc) =	sbr.rel @p2 .LBB2_8-.Ltmp6, $4  }
.Ltmp7:
0xcc: {  	_ = 	snop;
	(pc) =	sbr.rel @!p2 .LBB2_7-.Ltmp7, $4  }
0xcd: {  	_ = 	snop  }
0xce: {  	_ = 	snop  }
0xcf: {  	_ = 	snop  }
0xd0: {  	_ = 	snop  }
.LBB2_10:
0xd1: {  	_ =	sfence.sel $0x180000  }
0xd2: {  	[bflag:$0x0] =	sbarrier.arrive $0xFFFF  }
0xd3: {  	_ =	strace $0x9000004A  }
0xd4: {  	s0 =	stileid.u32;
	[bflag:$0x2] =	sbarrier.arrive $0xFFFF  }
0xd5: {  	p0 =	sne.s32 s0, $0x0;
	s0 =	rddreg [dreg:$0x5]  }
0xd6: {  	s0 =	sadd.s32 @!p0 $0x100000, s0  }
0xd7: {  	[sflag:s0] =	ssyncadd.tile.s32 @!p0 $0x1;
	_ =	shalt  }
.Lfunc_end2:
_tile_overlayer_lowered:
.L_overlay_start_2:
0xd8: {  	(tag) =	ssettag $0x2  }
0xd9: {  	s0 =	rddreg [dreg:$0x0];
	s2 =	stileid.u32  }
0xda: {  	s1 =	rddreg [dreg:$0x1];
	p0 =	sne.s32 s2, $0x0  }
0xdb: {  	s3 =	rddreg [dreg:$0x2];
	[bflag:$0x3] =	sbarrier.arrive $0xFFFF;
	s2 =	simm.s32 @!p0 $0x1C0A  }
0xdc: {  	[timem:s3], [sflag:s2] =	dma.local @!p0 [hbm:s0], s1  }
0xdd: {  	s0 =	simm.s32 @!p0 $0xA  }
0xde: {  	_ =	swait.ge @!p0 [sflag:s0], s1  }
0xdf: {  	s1 =	ssub.s32 @!p0 $0x0, s1;
	[sflag:s0] =	ssyncset.done @!p0 $0x0  }
0xe0: {  	[sflag:s0] =	ssyncadd.s32 @!p0 s1  }
0xe1: {  	[bflag:$0x3] =	sbarrier.arrive $0xFFFF  }
0xe2: {  	_ =	shalt  }

</sc_bundles>
